<compile_context>
chip_gen: v7x
topology: tpu7x:2x2x1
jax: 0.10.2.dev20260603
libtpu: 0.0.44.dev20260713+nightly
codegen_flags: <defaults>
</compile_context>

<pallas_src>
import functools

import jax
import jax.numpy as jnp
from jax import lax
from jax.experimental import pallas as pl
from jax.experimental.pallas import tpu as pltpu
from jax.experimental.pallas import tpu_sc as plsc

H_DIM, W_DIM = 512, 512
C_DIM = 128
N_OBS = 131072
DECAY = 0.95
THRESH = 0.1

NC, NS = 2, 16
NW = NC * NS
SLOTS = H_DIM * W_DIM
SPT = SLOTS // NW
SPT_SHIFT = 13
CHUNK = 4096
NCHUNK = N_OBS // CHUNK
GRP = CHUNK // 16
ROWCH = 64
CAP = SPT + ROWCH

_mesh = plsc.VectorSubcoreMesh(
    core_axis_name="c", subcore_axis_name="s", num_cores=NC, num_subcores=NS)


@functools.partial(
    pl.kernel,
    mesh=_mesh,
    compiler_params=pltpu.CompilerParams(needs_layout_passes=False),
    scratch_types=[
        pltpu.VMEM((SPT,), jnp.int32),
        pltpu.VMEM((CHUNK,), jnp.int32),
        pltpu.VMEM((CHUNK,), jnp.int32),
        pltpu.VMEM((CHUNK,), jnp.float32),
        pltpu.VMEM((CHUNK,), jnp.int32),
        pltpu.VMEM((CHUNK,), jnp.int32),
        pltpu.VMEM((CHUNK,), jnp.float32),
        pltpu.SemaphoreType.DMA,
        pltpu.SemaphoreType.DMA,
        pltpu.VMEM((CAP,), jnp.int32),
        pltpu.VMEM((CAP,), jnp.int32),
        pltpu.VMEM((SPT,), jnp.float32),
        pltpu.VMEM((ROWCH,), jnp.int32),
        pltpu.VMEM((ROWCH,), jnp.int32),
        pltpu.VMEM((ROWCH, C_DIM), jnp.float32),
        pltpu.VMEM((ROWCH, C_DIM), jnp.float32),
        pltpu.SemaphoreType.DMA,
        pltpu.SemaphoreType.DMA,
    ],
)
def _sc_update(u_hbm, v_hbm, mo_hbm, val_hbm, mem_hbm, conf_hbm,
               winner, u_buf0, v_buf0, mo_buf0, u_buf1, v_buf1, mo_buf1,
               psem0, psem1, slot_list, j_list, conf_shard,
               slot_buf, j_buf, mem_rows, val_rows, sem0, sem1):
    wid = lax.axis_index("s") * NC + lax.axis_index("c")
    lane = lax.iota(jnp.int32, 16)
    lane2 = lane * 2
    zeros16 = jnp.zeros((16,), jnp.int32)

    def _init(g, _):
        winner[pl.ds(g * 16, 16)] = zeros16
        return 0
    lax.fori_loop(0, SPT // 16, _init, 0, unroll=4)

    bufs = ((u_buf0, v_buf0, mo_buf0, psem0), (u_buf1, v_buf1, mo_buf1, psem1))

    def _copies(ci, b):
        base = ci * CHUNK
        ub, vb, mb, ps = bufs[b]
        return (pltpu.make_async_copy(u_hbm.at[pl.ds(base, CHUNK)], ub, ps),
                pltpu.make_async_copy(v_hbm.at[pl.ds(base, CHUNK)], vb, ps),
                pltpu.make_async_copy(mo_hbm.at[pl.ds(base, CHUNK)], mb, ps))

    def _start(ci, b):
        for cp in _copies(ci, b):
            cp.start()

    def _wait(ci, b):
        for cp in _copies(ci, b):
            cp.wait()

    def _scan(ci, b):
        ub, vb, mb, _ = bufs[b]
        base = ci * CHUNK

        def _grp(g, _):
            off = g * 16
            uu = ub[pl.ds(off, 16)]
            vv = vb[pl.ds(off, 16)]
            idx = uu * W_DIM + vv
            local = lax.bitwise_and(idx, SPT - 1)
            owner = lax.shift_right_logical(idx, SPT_SHIFT)
            match = owner == wid
            mo = mb[pl.ds(off, 16)]
            flag = jnp.where(mo < THRESH, 1, 0)
            enc = (2 * (base + off) + 2) + lane2 + flag
            plsc.store_scatter(winner, [local], enc, mask=match)
            return 0
        lax.fori_loop(0, GRP, _grp, 0, unroll=4)

    _start(0, 0)

    def _pair(t, _):
        ci = t * 2
        _wait(ci, 0)
        _start(ci + 1, 1)
        _scan(ci, 0)
        _wait(ci + 1, 1)

        @pl.when(ci + 2 < NCHUNK)
        def _():
            _start(ci + 2, 0)
        _scan(ci + 1, 1)
        return 0
    lax.fori_loop(0, NCHUNK // 2, _pair, 0)

    shard_base = wid * SPT
    pltpu.sync_copy(conf_hbm.at[pl.ds(shard_base, SPT)], conf_shard)

    def _compact(g, k):
        off = g * 16
        w = winner[pl.ds(off, 16)]
        valid = lax.bitwise_and(w, 1) == 1
        slots_g = (shard_base + off) + lane
        j_g = lax.shift_right_logical(w, 1) - 1
        plsc.store_compressed(slot_list.at[pl.ds(k, 16)], slots_g, mask=valid)
        plsc.store_compressed(j_list.at[pl.ds(k, 16)], j_g, mask=valid)
        c = conf_shard[pl.ds(off, 16)]
        conf_shard[pl.ds(off, 16)] = jnp.where(
            valid, jnp.minimum(c + 0.1, 1.0), c)
        return k + jnp.sum(jnp.where(valid, 1, 0))
    k = lax.fori_loop(0, SPT // 16, _compact, jnp.int32(0))

    pltpu.sync_copy(conf_shard, conf_hbm.at[pl.ds(shard_base, SPT)])

    @pl.when(k > 0)
    def _pad():
        lastv = jnp.full((16,), k - 1, jnp.int32)
        bslot = plsc.load_gather(slot_list, [lastv])
        bj = plsc.load_gather(j_list, [lastv])
        for t in range(ROWCH // 16):
            slot_list[pl.ds(k + t * 16, 16)] = bslot
            j_list[pl.ds(k + t * 16, 16)] = bj

    nch = lax.div(k + (ROWCH - 1), jnp.int32(ROWCH))

    def _rows(t, _):
        off = t * ROWCH
        for q in range(ROWCH // 16):
            slot_buf[pl.ds(q * 16, 16)] = slot_list[pl.ds(off + q * 16, 16)]
            j_buf[pl.ds(q * 16, 16)] = j_list[pl.ds(off + q * 16, 16)]
        cp0 = pltpu.make_async_copy(mem_hbm.at[slot_buf], mem_rows, sem0)
        cp1 = pltpu.make_async_copy(val_hbm.at[j_buf], val_rows, sem1)
        cp0.start()
        cp1.start()
        cp0.wait()
        cp1.wait()

        def _ema(i, _):
            r = lax.shift_right_logical(i, 3)
            cc = lax.bitwise_and(i, 7) * 16
            m = mem_rows[r, pl.ds(cc, 16)]
            vl = val_rows[r, pl.ds(cc, 16)]
            mem_rows[r, pl.ds(cc, 16)] = DECAY * m + (1.0 - DECAY) * vl
            return 0
        lax.fori_loop(0, ROWCH * C_DIM // 16, _ema, 0, unroll=8)

        wb = pltpu.make_async_copy(mem_rows, mem_hbm.at[slot_buf], sem0)
        wb.start()
        wb.wait()
        return 0
    lax.fori_loop(0, nch, _rows, 0)


def kernel(positions, values, motion_scores, static_mem, confidence):
    u = positions[:, 0].astype(jnp.int32)
    v = positions[:, 1].astype(jnp.int32)
    mem_ref = jax.new_ref(static_mem)
    conf_ref = jax.new_ref(confidence)
    _sc_update(u, v, motion_scores, values, mem_ref, conf_ref)
    return mem_ref[...], conf_ref[...]

# --- scband reference (transcript-rebuilt; emitter-appended) ---
"""Pipeline reference for scband-temporal-memory-bank-52398601011850 (READ-ONLY COPY).

The authoritative reference and input builder live on the scoring server;
editing this copy changes nothing except your own understanding.
"""

import jax, jax.numpy as jnp
import numpy as np

H, W = 512, 512
C = 128
N = 131072
EMA_DECAY = 0.95
MOTION_THRESHOLD = 0.1


def setup_inputs(seed: int = 0) -> dict:
    key = jax.random.key(seed)
    k1, k2, k3, k4, k5 = jax.random.split(key, 5)
    positions = jax.random.randint(k1, (N, 2), 0, 512)
    values = jax.random.normal(k2, (N, C), dtype=jnp.float32)
    motion_scores = jax.random.uniform(k3, (N,), dtype=jnp.float32)
    static_mem = jax.random.normal(k4, (H * W, C), dtype=jnp.float32)
    confidence = jax.random.uniform(k5, (H * W,), dtype=jnp.float32)
    return {
        "positions": positions,
        "values": values,
        "motion_scores": motion_scores,
        "static_mem": static_mem,
        "confidence": confidence,
    }


def reference(positions, values, motion_scores, static_mem, confidence):
    # Flatten 2D pixel positions to linear memory slots (vectorized form of the
    # per-pixel dict update in StaticMemory.update).
    idx = positions[:, 0] * W + positions[:, 1]
    # Gather current memory values at observed positions.
    old_vals = static_mem[idx]
    # EMA update: new = decay * old + (1 - decay) * value
    ema_vals = EMA_DECAY * old_vals + (1.0 - EMA_DECAY) * values
    # Static/dynamic classification by motion score.
    static_mask = motion_scores < MOTION_THRESHOLD
    new_vals = jnp.where(static_mask[:, None], ema_vals, old_vals)
    # Scatter-overwrite updated values back into the memory bank.
    new_mem = static_mem.at[idx].set(new_vals)
    # Confidence update: +0.1 capped at 1.0 for static observations.
    old_conf = confidence[idx]
    new_conf = jnp.where(static_mask, jnp.minimum(old_conf + 0.1, 1.0), old_conf)
    new_confidence = confidence.at[idx].set(new_conf)
    return new_mem, new_confidence

if __name__ == "__main__":
    import jax
    _d = setup_inputs()
    print(jax.jit(kernel)(*tuple(_d.values())))

</pallas_src>

<mosaic_0001>
#map = affine_map<(d0, d1) -> (0)>
#map1 = affine_map<(d0, d1) -> (0, 0)>
module attributes {stable_mosaic.version = 14 : i64} {
  func.func @new_body(%arg0: i32, %arg1: i32, %arg2: memref<131072xi32, #tpu.memory_space<hbm>>, %arg3: memref<131072xi32, #tpu.memory_space<hbm>>, %arg4: memref<131072xf32, #tpu.memory_space<hbm>>, %arg5: memref<131072x128xf32, #tpu.memory_space<hbm>>, %arg6: memref<262144x128xf32, #tpu.memory_space<hbm>>, %arg7: memref<262144xf32, #tpu.memory_space<hbm>>, %arg8: memref<262144x128xf32, #tpu.memory_space<hbm>>, %arg9: memref<262144xf32, #tpu.memory_space<hbm>>, %arg10: memref<8192xi32, #tpu.memory_space<vmem>>, %arg11: memref<4096xi32, #tpu.memory_space<vmem>>, %arg12: memref<4096xi32, #tpu.memory_space<vmem>>, %arg13: memref<4096xf32, #tpu.memory_space<vmem>>, %arg14: memref<4096xi32, #tpu.memory_space<vmem>>, %arg15: memref<4096xi32, #tpu.memory_space<vmem>>, %arg16: memref<4096xf32, #tpu.memory_space<vmem>>, %arg17: memref<!tpu.dma_semaphore, #tpu.memory_space<semaphore_mem>>, %arg18: memref<!tpu.dma_semaphore, #tpu.memory_space<semaphore_mem>>, %arg19: memref<8256xi32, #tpu.memory_space<vmem>>, %arg20: memref<8256xi32, #tpu.memory_space<vmem>>, %arg21: memref<8192xf32, #tpu.memory_space<vmem>>, %arg22: memref<64xi32, #tpu.memory_space<vmem>>, %arg23: memref<64xi32, #tpu.memory_space<vmem>>, %arg24: memref<64x128xf32, #tpu.memory_space<vmem>>, %arg25: memref<64x128xf32, #tpu.memory_space<vmem>>, %arg26: memref<!tpu.dma_semaphore, #tpu.memory_space<semaphore_mem>>, %arg27: memref<!tpu.dma_semaphore, #tpu.memory_space<semaphore_mem>>) attributes {dimension_semantics = [#tpu.dimension_semantics<core_parallel>, #tpu.dimension_semantics<subcore_parallel>], iteration_bounds = array<i64: 2, 16>, scalar_prefetch = 0 : i64, scratch_operands = 18 : i64, tpu.core_type = #tpu.core_type<sc_vector_subcore>, window_params = [{transform_indices = #map}, {transform_indices = #map}, {transform_indices = #map}, {transform_indices = #map1}, {transform_indices = #map1}, {transform_indices = #map}, {transform_indices = #map1}, {transform_indices = #map}]} {
    %mul3A = arith.constant 2 : i32
    %mul3A_0 = arith.muli %arg1, %mul3A : i32
    %add3A = arith.addi %mul3A_0, %arg0 : i32
    %iota3A = tpu.iota {dimensions = array<i32: 0>} : vector<16xi32>
    %mul3A_1 = arith.constant 2 : i32
    %mul3A_2 = vector.broadcast %mul3A_1 : i32 to vector<16xi32>
    %mul3A_3 = arith.muli %iota3A, %mul3A_2 : vector<16xi32>
    %broadcast_in_dim3A = arith.constant 0 : i32
    %broadcast_in_dim3A_4 = vector.broadcast %broadcast_in_dim3A : i32 to vector<16xi32>
    %scan3A = arith.constant 0 : i32
    %scan3A_5 = arith.constant 0 : i32
    %scan3A_6 = arith.constant 512 : i32
    %scan3A_7 = arith.addi %scan3A_5, %scan3A_6 : i32
    %scan3A_8 = arith.constant 4 : i32
    %scan3A_9 = scf.for %scan3A_54 = %scan3A_5 to %scan3A_7 step %scan3A_8 iter_args(%scan3A_55 = %scan3A) -> (i32)  : i32 {
      %mul3A_56 = arith.constant 16 : i32
      %mul3A_57 = arith.muli %scan3A_54, %mul3A_56 : i32
      %swap3A = arith.index_cast %mul3A_57 : i32 to index
      %swap3A_58 = tpu.vector_load %arg10[%swap3A] {strides = array<i32>} : memref<8192xi32, #tpu.memory_space<vmem>>, vector<16xi32>,
      tpu.vector_store %arg10[%swap3A], %broadcast_in_dim3A_4 {strides = array<i32>} : memref<8192xi32, #tpu.memory_space<vmem>>, vector<16xi32>,
      %scan3A_59 = arith.constant 0 : i32
      %scan3A_60 = arith.constant 1 : i32
      %scan3A_61 = arith.addi %scan3A_54, %scan3A_60 : i32
      %mul3A_62 = arith.constant 16 : i32
      %mul3A_63 = arith.muli %scan3A_61, %mul3A_62 : i32
      %swap3A_64 = arith.index_cast %mul3A_63 : i32 to index
      %swap3A_65 = tpu.vector_load %arg10[%swap3A_64] {strides = array<i32>} : memref<8192xi32, #tpu.memory_space<vmem>>, vector<16xi32>,
      tpu.vector_store %arg10[%swap3A_64], %broadcast_in_dim3A_4 {strides = array<i32>} : memref<8192xi32, #tpu.memory_space<vmem>>, vector<16xi32>,
      %scan3A_66 = arith.constant 0 : i32
      %scan3A_67 = arith.constant 2 : i32
      %scan3A_68 = arith.addi %scan3A_54, %scan3A_67 : i32
      %mul3A_69 = arith.constant 16 : i32
      %mul3A_70 = arith.muli %scan3A_68, %mul3A_69 : i32
      %swap3A_71 = arith.index_cast %mul3A_70 : i32 to index
      %swap3A_72 = tpu.vector_load %arg10[%swap3A_71] {strides = array<i32>} : memref<8192xi32, #tpu.memory_space<vmem>>, vector<16xi32>,
      tpu.vector_store %arg10[%swap3A_71], %broadcast_in_dim3A_4 {strides = array<i32>} : memref<8192xi32, #tpu.memory_space<vmem>>, vector<16xi32>,
      %scan3A_73 = arith.constant 0 : i32
      %scan3A_74 = arith.constant 3 : i32
      %scan3A_75 = arith.addi %scan3A_54, %scan3A_74 : i32
      %mul3A_76 = arith.constant 16 : i32
      %mul3A_77 = arith.muli %scan3A_75, %mul3A_76 : i32
      %swap3A_78 = arith.index_cast %mul3A_77 : i32 to index
      %swap3A_79 = tpu.vector_load %arg10[%swap3A_78] {strides = array<i32>} : memref<8192xi32, #tpu.memory_space<vmem>>, vector<16xi32>,
      tpu.vector_store %arg10[%swap3A_78], %broadcast_in_dim3A_4 {strides = array<i32>} : memref<8192xi32, #tpu.memory_space<vmem>>, vector<16xi32>,
      %scan3A_80 = arith.constant 0 : i32
      scf.yield %scan3A_80 : i32
    }
    %scan3A_10 = arith.constant 512 : i32
    %dma_start3A = arith.constant 0 : i32
    %dma_start3A_11 = tpu.memref_slice %arg2[%dma_start3A] : memref<131072xi32, #tpu.memory_space<hbm>> -> memref<4096xi32, #tpu.memory_space<hbm>>
    %dma_start3A_12 = arith.constant 0 : i32
    %dma_start3A_13 = tpu.memref_slice %arg2[%dma_start3A_12] : memref<131072xi32, #tpu.memory_space<hbm>> -> memref<4096xi32, #tpu.memory_space<hbm>>
    tpu.enqueue_dma source(%dma_start3A_13 : memref<4096xi32, #tpu.memory_space<hbm>>) target(%arg11 : memref<4096xi32, #tpu.memory_space<vmem>>) target_semaphore(%arg17 : memref<!tpu.dma_semaphore, #tpu.memory_space<semaphore_mem>>)
    %dma_start3A_14 = arith.constant 0 : i32
    %dma_start3A_15 = tpu.memref_slice %arg3[%dma_start3A_14] : memref<131072xi32, #tpu.memory_space<hbm>> -> memref<4096xi32, #tpu.memory_space<hbm>>
    %dma_start3A_16 = arith.constant 0 : i32
    %dma_start3A_17 = tpu.memref_slice %arg3[%dma_start3A_16] : memref<131072xi32, #tpu.memory_space<hbm>> -> memref<4096xi32, #tpu.memory_space<hbm>>
    tpu.enqueue_dma source(%dma_start3A_17 : memref<4096xi32, #tpu.memory_space<hbm>>) target(%arg12 : memref<4096xi32, #tpu.memory_space<vmem>>) target_semaphore(%arg17 : memref<!tpu.dma_semaphore, #tpu.memory_space<semaphore_mem>>)
    %dma_start3A_18 = arith.constant 0 : i32
    %dma_start3A_19 = tpu.memref_slice %arg4[%dma_start3A_18] : memref<131072xf32, #tpu.memory_space<hbm>> -> memref<4096xf32, #tpu.memory_space<hbm>>
    %dma_start3A_20 = arith.constant 0 : i32
    %dma_start3A_21 = tpu.memref_slice %arg4[%dma_start3A_20] : memref<131072xf32, #tpu.memory_space<hbm>> -> memref<4096xf32, #tpu.memory_space<hbm>>
    tpu.enqueue_dma source(%dma_start3A_21 : memref<4096xf32, #tpu.memory_space<hbm>>) target(%arg13 : memref<4096xf32, #tpu.memory_space<vmem>>) target_semaphore(%arg17 : memref<!tpu.dma_semaphore, #tpu.memory_space<semaphore_mem>>)
    %scan3A_22 = arith.constant 0 : i32
    %scan3A_23 = arith.constant 0 : i32
    %scan3A_24 = arith.constant 16 : i32
    %scan3A_25 = arith.addi %scan3A_23, %scan3A_24 : i32
    %scan3A_26 = arith.constant 1 : i32
    %scan3A_27 = scf.for %scan3A_54 = %scan3A_23 to %scan3A_25 step %scan3A_26 iter_args(%scan3A_55 = %scan3A_22) -> (i32)  : i32 {
      %mul3A_56 = arith.constant 2 : i32
      %mul3A_57 = arith.muli %scan3A_54, %mul3A_56 : i32
      %mul3A_58 = arith.constant 4096 : i32
      %mul3A_59 = arith.muli %mul3A_57, %mul3A_58 : i32
      %dma_wait3A = tpu.memref_slice %arg2[%mul3A_59] : memref<131072xi32, #tpu.memory_space<hbm>> -> memref<4096xi32, #tpu.memory_space<hbm>>
      %dma_wait3A_60 = tpu.memref_slice %arg2[%mul3A_59] : memref<131072xi32, #tpu.memory_space<hbm>> -> memref<4096xi32, #tpu.memory_space<hbm>>
      tpu.wait_dma2 semaphore(%arg17 : memref<!tpu.dma_semaphore, #tpu.memory_space<semaphore_mem>>) src(%dma_wait3A_60 : memref<4096xi32, #tpu.memory_space<hbm>>) dst(%arg11 : memref<4096xi32, #tpu.memory_space<vmem>>)
      %dma_wait3A_61 = tpu.memref_slice %arg3[%mul3A_59] : memref<131072xi32, #tpu.memory_space<hbm>> -> memref<4096xi32, #tpu.memory_space<hbm>>
      %dma_wait3A_62 = tpu.memref_slice %arg3[%mul3A_59] : memref<131072xi32, #tpu.memory_space<hbm>> -> memref<4096xi32, #tpu.memory_space<hbm>>
      tpu.wait_dma2 semaphore(%arg17 : memref<!tpu.dma_semaphore, #tpu.memory_space<semaphore_mem>>) src(%dma_wait3A_62 : memref<4096xi32, #tpu.memory_space<hbm>>) dst(%arg12 : memref<4096xi32, #tpu.memory_space<vmem>>)
      %dma_wait3A_63 = tpu.memref_slice %arg4[%mul3A_59] : memref<131072xf32, #tpu.memory_space<hbm>> -> memref<4096xf32, #tpu.memory_space<hbm>>
      %dma_wait3A_64 = tpu.memref_slice %arg4[%mul3A_59] : memref<131072xf32, #tpu.memory_space<hbm>> -> memref<4096xf32, #tpu.memory_space<hbm>>
      tpu.wait_dma2 semaphore(%arg17 : memref<!tpu.dma_semaphore, #tpu.memory_space<semaphore_mem>>) src(%dma_wait3A_64 : memref<4096xf32, #tpu.memory_space<hbm>>) dst(%arg13 : memref<4096xf32, #tpu.memory_space<vmem>>)
      %add3A_65 = arith.constant 1 : i32
      %add3A_66 = arith.addi %mul3A_57, %add3A_65 : i32
      %mul3A_67 = arith.constant 4096 : i32
      %mul3A_68 = arith.muli %add3A_66, %mul3A_67 : i32
      %dma_start3A_69 = tpu.memref_slice %arg2[%mul3A_68] : memref<131072xi32, #tpu.memory_space<hbm>> -> memref<4096xi32, #tpu.memory_space<hbm>>
      %dma_start3A_70 = tpu.memref_slice %arg2[%mul3A_68] : memref<131072xi32, #tpu.memory_space<hbm>> -> memref<4096xi32, #tpu.memory_space<hbm>>
      tpu.enqueue_dma source(%dma_start3A_70 : memref<4096xi32, #tpu.memory_space<hbm>>) target(%arg14 : memref<4096xi32, #tpu.memory_space<vmem>>) target_semaphore(%arg18 : memref<!tpu.dma_semaphore, #tpu.memory_space<semaphore_mem>>)
      %dma_start3A_71 = tpu.memref_slice %arg3[%mul3A_68] : memref<131072xi32, #tpu.memory_space<hbm>> -> memref<4096xi32, #tpu.memory_space<hbm>>
      %dma_start3A_72 = tpu.memref_slice %arg3[%mul3A_68] : memref<131072xi32, #tpu.memory_space<hbm>> -> memref<4096xi32, #tpu.memory_space<hbm>>
      tpu.enqueue_dma source(%dma_start3A_72 : memref<4096xi32, #tpu.memory_space<hbm>>) target(%arg15 : memref<4096xi32, #tpu.memory_space<vmem>>) target_semaphore(%arg18 : memref<!tpu.dma_semaphore, #tpu.memory_space<semaphore_mem>>)
      %dma_start3A_73 = tpu.memref_slice %arg4[%mul3A_68] : memref<131072xf32, #tpu.memory_space<hbm>> -> memref<4096xf32, #tpu.memory_space<hbm>>
      %dma_start3A_74 = tpu.memref_slice %arg4[%mul3A_68] : memref<131072xf32, #tpu.memory_space<hbm>> -> memref<4096xf32, #tpu.memory_space<hbm>>
      tpu.enqueue_dma source(%dma_start3A_74 : memref<4096xf32, #tpu.memory_space<hbm>>) target(%arg16 : memref<4096xf32, #tpu.memory_space<vmem>>) target_semaphore(%arg18 : memref<!tpu.dma_semaphore, #tpu.memory_space<semaphore_mem>>)
      %mul3A_75 = arith.constant 4096 : i32
      %mul3A_76 = arith.muli %mul3A_57, %mul3A_75 : i32
      %scan3A_77 = arith.constant 0 : i32
      %scan3A_78 = arith.constant 0 : i32
      %scan3A_79 = arith.constant 256 : i32
      %scan3A_80 = arith.addi %scan3A_78, %scan3A_79 : i32
      %scan3A_81 = arith.constant 4 : i32
      %scan3A_82 = scf.for %scan3A_112 = %scan3A_78 to %scan3A_80 step %scan3A_81 iter_args(%scan3A_113 = %scan3A_77) -> (i32)  : i32 {
        %mul3A_114 = arith.constant 16 : i32
        %mul3A_115 = arith.muli %scan3A_112, %mul3A_114 : i32
        %get3A = arith.index_cast %mul3A_115 : i32 to index
        %get3A_116 = tpu.vector_load %arg11[%get3A] {strides = array<i32>} : memref<4096xi32, #tpu.memory_space<vmem>>, vector<16xi32>,
        %get3A_117 = arith.index_cast %mul3A_115 : i32 to index
        %get3A_118 = tpu.vector_load %arg12[%get3A_117] {strides = array<i32>} : memref<4096xi32, #tpu.memory_space<vmem>>, vector<16xi32>,
        %mul3A_119 = arith.constant 512 : i32
        %mul3A_120 = vector.broadcast %mul3A_119 : i32 to vector<16xi32>
        %mul3A_121 = arith.muli %get3A_116, %mul3A_120 : vector<16xi32>
        %add3A_122 = arith.addi %mul3A_121, %get3A_118 : vector<16xi32>
        %and3A = arith.constant 8191 : i32
        %and3A_123 = vector.broadcast %and3A : i32 to vector<16xi32>
        %and3A_124 = arith.andi %add3A_122, %and3A_123 : vector<16xi32>
        %shift_right_logical3A = arith.constant 13 : i32
        %shift_right_logical3A_125 = vector.broadcast %shift_right_logical3A : i32 to vector<16xi32>
        %shift_right_logical3A_126 = arith.shrui %add3A_122, %shift_right_logical3A_125 : vector<16xi32>
        %eq3A = vector.broadcast %add3A : i32 to vector<16xi32>
        %eq3A_127 = arith.cmpi eq, %shift_right_logical3A_126, %eq3A : vector<16xi32>
        %get3A_128 = arith.index_cast %mul3A_115 : i32 to index
        %get3A_129 = tpu.vector_load %arg13[%get3A_128] {strides = array<i32>} : memref<4096xf32, #tpu.memory_space<vmem>>, vector<16xf32>,
        %lt3A_130 = arith.constant 1.000000e-01 : f32
        %lt3A_131 = vector.broadcast %lt3A_130 : f32 to vector<16xf32>
        %lt3A_132 = arith.cmpf olt, %get3A_129, %lt3A_131 : vector<16xf32>
        %jit3A = arith.constant 1 : i32
        %jit3A_133 = arith.constant 0 : i32
        %broadcast_in_dim3A_134 = vector.broadcast %jit3A : i32 to vector<16xi32>
        %broadcast_in_dim3A_135 = vector.broadcast %jit3A_133 : i32 to vector<16xi32>
        %select_n3A = arith.select %lt3A_132, %broadcast_in_dim3A_134, %broadcast_in_dim3A_135 : vector<16xi1>, vector<16xi32>
        %add3A_136 = arith.addi %mul3A_76, %mul3A_115 : i32
        %mul3A_137 = arith.constant 2 : i32
        %mul3A_138 = arith.muli %mul3A_137, %add3A_136 : i32
        %add3A_139 = arith.constant 2 : i32
        %add3A_140 = arith.addi %mul3A_138, %add3A_139 : i32
        %add3A_141 = vector.broadcast %add3A_140 : i32 to vector<16xi32>
        %add3A_142 = arith.addi %add3A_141, %mul3A_3 : vector<16xi32>
        %add3A_143 = arith.addi %add3A_142, %select_n3A : vector<16xi32>
        tpu.vector_store_idx %arg10[%and3A_124], %add3A_143 masked %eq3A_127 : memref<8192xi32, #tpu.memory_space<vmem>>[vector<16xi32>], vector<16xi32>, vector<16xi1>
        %scan3A_144 = arith.constant 0 : i32
        %scan3A_145 = arith.constant 1 : i32
        %scan3A_146 = arith.addi %scan3A_112, %scan3A_145 : i32
        %mul3A_147 = arith.constant 16 : i32
        %mul3A_148 = arith.muli %scan3A_146, %mul3A_147 : i32
        %get3A_149 = arith.index_cast %mul3A_148 : i32 to index
        %get3A_150 = tpu.vector_load %arg11[%get3A_149] {strides = array<i32>} : memref<4096xi32, #tpu.memory_space<vmem>>, vector<16xi32>,
        %get3A_151 = arith.index_cast %mul3A_148 : i32 to index
        %get3A_152 = tpu.vector_load %arg12[%get3A_151] {strides = array<i32>} : memref<4096xi32, #tpu.memory_space<vmem>>, vector<16xi32>,
        %mul3A_153 = arith.constant 512 : i32
        %mul3A_154 = vector.broadcast %mul3A_153 : i32 to vector<16xi32>
        %mul3A_155 = arith.muli %get3A_150, %mul3A_154 : vector<16xi32>
        %add3A_156 = arith.addi %mul3A_155, %get3A_152 : vector<16xi32>
        %and3A_157 = arith.constant 8191 : i32
        %and3A_158 = vector.broadcast %and3A_157 : i32 to vector<16xi32>
        %and3A_159 = arith.andi %add3A_156, %and3A_158 : vector<16xi32>
        %shift_right_logical3A_160 = arith.constant 13 : i32
        %shift_right_logical3A_161 = vector.broadcast %shift_right_logical3A_160 : i32 to vector<16xi32>
        %shift_right_logical3A_162 = arith.shrui %add3A_156, %shift_right_logical3A_161 : vector<16xi32>
        %eq3A_163 = vector.broadcast %add3A : i32 to vector<16xi32>
        %eq3A_164 = arith.cmpi eq, %shift_right_logical3A_162, %eq3A_163 : vector<16xi32>
        %get3A_165 = arith.index_cast %mul3A_148 : i32 to index
        %get3A_166 = tpu.vector_load %arg13[%get3A_165] {strides = array<i32>} : memref<4096xf32, #tpu.memory_space<vmem>>, vector<16xf32>,
        %lt3A_167 = arith.constant 1.000000e-01 : f32
        %lt3A_168 = vector.broadcast %lt3A_167 : f32 to vector<16xf32>
        %lt3A_169 = arith.cmpf olt, %get3A_166, %lt3A_168 : vector<16xf32>
        %jit3A_170 = arith.constant 1 : i32
        %jit3A_171 = arith.constant 0 : i32
        %broadcast_in_dim3A_172 = vector.broadcast %jit3A_170 : i32 to vector<16xi32>
        %broadcast_in_dim3A_173 = vector.broadcast %jit3A_171 : i32 to vector<16xi32>
        %select_n3A_174 = arith.select %lt3A_169, %broadcast_in_dim3A_172, %broadcast_in_dim3A_173 : vector<16xi1>, vector<16xi32>
        %add3A_175 = arith.addi %mul3A_76, %mul3A_148 : i32
        %mul3A_176 = arith.constant 2 : i32
        %mul3A_177 = arith.muli %mul3A_176, %add3A_175 : i32
        %add3A_178 = arith.constant 2 : i32
        %add3A_179 = arith.addi %mul3A_177, %add3A_178 : i32
        %add3A_180 = vector.broadcast %add3A_179 : i32 to vector<16xi32>
        %add3A_181 = arith.addi %add3A_180, %mul3A_3 : vector<16xi32>
        %add3A_182 = arith.addi %add3A_181, %select_n3A_174 : vector<16xi32>
        tpu.vector_store_idx %arg10[%and3A_159], %add3A_182 masked %eq3A_164 : memref<8192xi32, #tpu.memory_space<vmem>>[vector<16xi32>], vector<16xi32>, vector<16xi1>
        %scan3A_183 = arith.constant 0 : i32
        %scan3A_184 = arith.constant 2 : i32
        %scan3A_185 = arith.addi %scan3A_112, %scan3A_184 : i32
        %mul3A_186 = arith.constant 16 : i32
        %mul3A_187 = arith.muli %scan3A_185, %mul3A_186 : i32
        %get3A_188 = arith.index_cast %mul3A_187 : i32 to index
        %get3A_189 = tpu.vector_load %arg11[%get3A_188] {strides = array<i32>} : memref<4096xi32, #tpu.memory_space<vmem>>, vector<16xi32>,
        %get3A_190 = arith.index_cast %mul3A_187 : i32 to index
        %get3A_191 = tpu.vector_load %arg12[%get3A_190] {strides = array<i32>} : memref<4096xi32, #tpu.memory_space<vmem>>, vector<16xi32>,
        %mul3A_192 = arith.constant 512 : i32
        %mul3A_193 = vector.broadcast %mul3A_192 : i32 to vector<16xi32>
        %mul3A_194 = arith.muli %get3A_189, %mul3A_193 : vector<16xi32>
        %add3A_195 = arith.addi %mul3A_194, %get3A_191 : vector<16xi32>
        %and3A_196 = arith.constant 8191 : i32
        %and3A_197 = vector.broadcast %and3A_196 : i32 to vector<16xi32>
        %and3A_198 = arith.andi %add3A_195, %and3A_197 : vector<16xi32>
        %shift_right_logical3A_199 = arith.constant 13 : i32
        %shift_right_logical3A_200 = vector.broadcast %shift_right_logical3A_199 : i32 to vector<16xi32>
        %shift_right_logical3A_201 = arith.shrui %add3A_195, %shift_right_logical3A_200 : vector<16xi32>
        %eq3A_202 = vector.broadcast %add3A : i32 to vector<16xi32>
        %eq3A_203 = arith.cmpi eq, %shift_right_logical3A_201, %eq3A_202 : vector<16xi32>
        %get3A_204 = arith.index_cast %mul3A_187 : i32 to index
        %get3A_205 = tpu.vector_load %arg13[%get3A_204] {strides = array<i32>} : memref<4096xf32, #tpu.memory_space<vmem>>, vector<16xf32>,
        %lt3A_206 = arith.constant 1.000000e-01 : f32
        %lt3A_207 = vector.broadcast %lt3A_206 : f32 to vector<16xf32>
        %lt3A_208 = arith.cmpf olt, %get3A_205, %lt3A_207 : vector<16xf32>
        %jit3A_209 = arith.constant 1 : i32
        %jit3A_210 = arith.constant 0 : i32
        %broadcast_in_dim3A_211 = vector.broadcast %jit3A_209 : i32 to vector<16xi32>
        %broadcast_in_dim3A_212 = vector.broadcast %jit3A_210 : i32 to vector<16xi32>
        %select_n3A_213 = arith.select %lt3A_208, %broadcast_in_dim3A_211, %broadcast_in_dim3A_212 : vector<16xi1>, vector<16xi32>
        %add3A_214 = arith.addi %mul3A_76, %mul3A_187 : i32
        %mul3A_215 = arith.constant 2 : i32
        %mul3A_216 = arith.muli %mul3A_215, %add3A_214 : i32
        %add3A_217 = arith.constant 2 : i32
        %add3A_218 = arith.addi %mul3A_216, %add3A_217 : i32
        %add3A_219 = vector.broadcast %add3A_218 : i32 to vector<16xi32>
        %add3A_220 = arith.addi %add3A_219, %mul3A_3 : vector<16xi32>
        %add3A_221 = arith.addi %add3A_220, %select_n3A_213 : vector<16xi32>
        tpu.vector_store_idx %arg10[%and3A_198], %add3A_221 masked %eq3A_203 : memref<8192xi32, #tpu.memory_space<vmem>>[vector<16xi32>], vector<16xi32>, vector<16xi1>
        %scan3A_222 = arith.constant 0 : i32
        %scan3A_223 = arith.constant 3 : i32
        %scan3A_224 = arith.addi %scan3A_112, %scan3A_223 : i32
        %mul3A_225 = arith.constant 16 : i32
        %mul3A_226 = arith.muli %scan3A_224, %mul3A_225 : i32
        %get3A_227 = arith.index_cast %mul3A_226 : i32 to index
        %get3A_228 = tpu.vector_load %arg11[%get3A_227] {strides = array<i32>} : memref<4096xi32, #tpu.memory_space<vmem>>, vector<16xi32>,
        %get3A_229 = arith.index_cast %mul3A_226 : i32 to index
        %get3A_230 = tpu.vector_load %arg12[%get3A_229] {strides = array<i32>} : memref<4096xi32, #tpu.memory_space<vmem>>, vector<16xi32>,
        %mul3A_231 = arith.constant 512 : i32
        %mul3A_232 = vector.broadcast %mul3A_231 : i32 to vector<16xi32>
        %mul3A_233 = arith.muli %get3A_228, %mul3A_232 : vector<16xi32>
        %add3A_234 = arith.addi %mul3A_233, %get3A_230 : vector<16xi32>
        %and3A_235 = arith.constant 8191 : i32
        %and3A_236 = vector.broadcast %and3A_235 : i32 to vector<16xi32>
        %and3A_237 = arith.andi %add3A_234, %and3A_236 : vector<16xi32>
        %shift_right_logical3A_238 = arith.constant 13 : i32
        %shift_right_logical3A_239 = vector.broadcast %shift_right_logical3A_238 : i32 to vector<16xi32>
        %shift_right_logical3A_240 = arith.shrui %add3A_234, %shift_right_logical3A_239 : vector<16xi32>
        %eq3A_241 = vector.broadcast %add3A : i32 to vector<16xi32>
        %eq3A_242 = arith.cmpi eq, %shift_right_logical3A_240, %eq3A_241 : vector<16xi32>
        %get3A_243 = arith.index_cast %mul3A_226 : i32 to index
        %get3A_244 = tpu.vector_load %arg13[%get3A_243] {strides = array<i32>} : memref<4096xf32, #tpu.memory_space<vmem>>, vector<16xf32>,
        %lt3A_245 = arith.constant 1.000000e-01 : f32
        %lt3A_246 = vector.broadcast %lt3A_245 : f32 to vector<16xf32>
        %lt3A_247 = arith.cmpf olt, %get3A_244, %lt3A_246 : vector<16xf32>
        %jit3A_248 = arith.constant 1 : i32
        %jit3A_249 = arith.constant 0 : i32
        %broadcast_in_dim3A_250 = vector.broadcast %jit3A_248 : i32 to vector<16xi32>
        %broadcast_in_dim3A_251 = vector.broadcast %jit3A_249 : i32 to vector<16xi32>
        %select_n3A_252 = arith.select %lt3A_247, %broadcast_in_dim3A_250, %broadcast_in_dim3A_251 : vector<16xi1>, vector<16xi32>
        %add3A_253 = arith.addi %mul3A_76, %mul3A_226 : i32
        %mul3A_254 = arith.constant 2 : i32
        %mul3A_255 = arith.muli %mul3A_254, %add3A_253 : i32
        %add3A_256 = arith.constant 2 : i32
        %add3A_257 = arith.addi %mul3A_255, %add3A_256 : i32
        %add3A_258 = vector.broadcast %add3A_257 : i32 to vector<16xi32>
        %add3A_259 = arith.addi %add3A_258, %mul3A_3 : vector<16xi32>
        %add3A_260 = arith.addi %add3A_259, %select_n3A_252 : vector<16xi32>
        tpu.vector_store_idx %arg10[%and3A_237], %add3A_260 masked %eq3A_242 : memref<8192xi32, #tpu.memory_space<vmem>>[vector<16xi32>], vector<16xi32>, vector<16xi1>
        %scan3A_261 = arith.constant 0 : i32
        scf.yield %scan3A_261 : i32
      }
      %scan3A_83 = arith.constant 256 : i32
      %add3A_84 = arith.constant 1 : i32
      %add3A_85 = arith.addi %mul3A_57, %add3A_84 : i32
      %mul3A_86 = arith.constant 4096 : i32
      %mul3A_87 = arith.muli %add3A_85, %mul3A_86 : i32
      %dma_wait3A_88 = tpu.memref_slice %arg2[%mul3A_87] : memref<131072xi32, #tpu.memory_space<hbm>> -> memref<4096xi32, #tpu.memory_space<hbm>>
      %dma_wait3A_89 = tpu.memref_slice %arg2[%mul3A_87] : memref<131072xi32, #tpu.memory_space<hbm>> -> memref<4096xi32, #tpu.memory_space<hbm>>
      tpu.wait_dma2 semaphore(%arg18 : memref<!tpu.dma_semaphore, #tpu.memory_space<semaphore_mem>>) src(%dma_wait3A_89 : memref<4096xi32, #tpu.memory_space<hbm>>) dst(%arg14 : memref<4096xi32, #tpu.memory_space<vmem>>)
      %dma_wait3A_90 = tpu.memref_slice %arg3[%mul3A_87] : memref<131072xi32, #tpu.memory_space<hbm>> -> memref<4096xi32, #tpu.memory_space<hbm>>
      %dma_wait3A_91 = tpu.memref_slice %arg3[%mul3A_87] : memref<131072xi32, #tpu.memory_space<hbm>> -> memref<4096xi32, #tpu.memory_space<hbm>>
      tpu.wait_dma2 semaphore(%arg18 : memref<!tpu.dma_semaphore, #tpu.memory_space<semaphore_mem>>) src(%dma_wait3A_91 : memref<4096xi32, #tpu.memory_space<hbm>>) dst(%arg15 : memref<4096xi32, #tpu.memory_space<vmem>>)
      %dma_wait3A_92 = tpu.memref_slice %arg4[%mul3A_87] : memref<131072xf32, #tpu.memory_space<hbm>> -> memref<4096xf32, #tpu.memory_space<hbm>>
      %dma_wait3A_93 = tpu.memref_slice %arg4[%mul3A_87] : memref<131072xf32, #tpu.memory_space<hbm>> -> memref<4096xf32, #tpu.memory_space<hbm>>
      tpu.wait_dma2 semaphore(%arg18 : memref<!tpu.dma_semaphore, #tpu.memory_space<semaphore_mem>>) src(%dma_wait3A_93 : memref<4096xf32, #tpu.memory_space<hbm>>) dst(%arg16 : memref<4096xf32, #tpu.memory_space<vmem>>)
      %add3A_94 = arith.constant 2 : i32
      %add3A_95 = arith.addi %mul3A_57, %add3A_94 : i32
      %lt3A = arith.constant 32 : i32
      %lt3A_96 = arith.cmpi slt, %add3A_95, %lt3A : i32
      %convert_element_type3A_97 = arith.extui %lt3A_96 : i1 to i32
      %cond3A_98 = arith.constant 0 : i32
      %cond3A_99 = arith.cmpi ne, %convert_element_type3A_97, %cond3A_98 : i32
      scf.if %cond3A_99 {
        %add3A_112 = arith.constant 2 : i32
        %add3A_113 = arith.addi %mul3A_57, %add3A_112 : i32
        %mul3A_114 = arith.constant 4096 : i32
        %mul3A_115 = arith.muli %add3A_113, %mul3A_114 : i32
        %dma_start3A_116 = tpu.memref_slice %arg2[%mul3A_115] : memref<131072xi32, #tpu.memory_space<hbm>> -> memref<4096xi32, #tpu.memory_space<hbm>>
        %dma_start3A_117 = tpu.memref_slice %arg2[%mul3A_115] : memref<131072xi32, #tpu.memory_space<hbm>> -> memref<4096xi32, #tpu.memory_space<hbm>>
        tpu.enqueue_dma source(%dma_start3A_117 : memref<4096xi32, #tpu.memory_space<hbm>>) target(%arg11 : memref<4096xi32, #tpu.memory_space<vmem>>) target_semaphore(%arg17 : memref<!tpu.dma_semaphore, #tpu.memory_space<semaphore_mem>>)
        %dma_start3A_118 = tpu.memref_slice %arg3[%mul3A_115] : memref<131072xi32, #tpu.memory_space<hbm>> -> memref<4096xi32, #tpu.memory_space<hbm>>
        %dma_start3A_119 = tpu.memref_slice %arg3[%mul3A_115] : memref<131072xi32, #tpu.memory_space<hbm>> -> memref<4096xi32, #tpu.memory_space<hbm>>
        tpu.enqueue_dma source(%dma_start3A_119 : memref<4096xi32, #tpu.memory_space<hbm>>) target(%arg12 : memref<4096xi32, #tpu.memory_space<vmem>>) target_semaphore(%arg17 : memref<!tpu.dma_semaphore, #tpu.memory_space<semaphore_mem>>)
        %dma_start3A_120 = tpu.memref_slice %arg4[%mul3A_115] : memref<131072xf32, #tpu.memory_space<hbm>> -> memref<4096xf32, #tpu.memory_space<hbm>>
        %dma_start3A_121 = tpu.memref_slice %arg4[%mul3A_115] : memref<131072xf32, #tpu.memory_space<hbm>> -> memref<4096xf32, #tpu.memory_space<hbm>>
        tpu.enqueue_dma source(%dma_start3A_121 : memref<4096xf32, #tpu.memory_space<hbm>>) target(%arg13 : memref<4096xf32, #tpu.memory_space<vmem>>) target_semaphore(%arg17 : memref<!tpu.dma_semaphore, #tpu.memory_space<semaphore_mem>>)
      } else {
      }
      %add3A_100 = arith.constant 1 : i32
      %add3A_101 = arith.addi %mul3A_57, %add3A_100 : i32
      %mul3A_102 = arith.constant 4096 : i32
      %mul3A_103 = arith.muli %add3A_101, %mul3A_102 : i32
      %scan3A_104 = arith.constant 0 : i32
      %scan3A_105 = arith.constant 0 : i32
      %scan3A_106 = arith.constant 256 : i32
      %scan3A_107 = arith.addi %scan3A_105, %scan3A_106 : i32
      %scan3A_108 = arith.constant 4 : i32
      %scan3A_109 = scf.for %scan3A_112 = %scan3A_105 to %scan3A_107 step %scan3A_108 iter_args(%scan3A_113 = %scan3A_104) -> (i32)  : i32 {
        %mul3A_114 = arith.constant 16 : i32
        %mul3A_115 = arith.muli %scan3A_112, %mul3A_114 : i32
        %get3A = arith.index_cast %mul3A_115 : i32 to index
        %get3A_116 = tpu.vector_load %arg14[%get3A] {strides = array<i32>} : memref<4096xi32, #tpu.memory_space<vmem>>, vector<16xi32>,
        %get3A_117 = arith.index_cast %mul3A_115 : i32 to index
        %get3A_118 = tpu.vector_load %arg15[%get3A_117] {strides = array<i32>} : memref<4096xi32, #tpu.memory_space<vmem>>, vector<16xi32>,
        %mul3A_119 = arith.constant 512 : i32
        %mul3A_120 = vector.broadcast %mul3A_119 : i32 to vector<16xi32>
        %mul3A_121 = arith.muli %get3A_116, %mul3A_120 : vector<16xi32>
        %add3A_122 = arith.addi %mul3A_121, %get3A_118 : vector<16xi32>
        %and3A = arith.constant 8191 : i32
        %and3A_123 = vector.broadcast %and3A : i32 to vector<16xi32>
        %and3A_124 = arith.andi %add3A_122, %and3A_123 : vector<16xi32>
        %shift_right_logical3A = arith.constant 13 : i32
        %shift_right_logical3A_125 = vector.broadcast %shift_right_logical3A : i32 to vector<16xi32>
        %shift_right_logical3A_126 = arith.shrui %add3A_122, %shift_right_logical3A_125 : vector<16xi32>
        %eq3A = vector.broadcast %add3A : i32 to vector<16xi32>
        %eq3A_127 = arith.cmpi eq, %shift_right_logical3A_126, %eq3A : vector<16xi32>
        %get3A_128 = arith.index_cast %mul3A_115 : i32 to index
        %get3A_129 = tpu.vector_load %arg16[%get3A_128] {strides = array<i32>} : memref<4096xf32, #tpu.memory_space<vmem>>, vector<16xf32>,
        %lt3A_130 = arith.constant 1.000000e-01 : f32
        %lt3A_131 = vector.broadcast %lt3A_130 : f32 to vector<16xf32>
        %lt3A_132 = arith.cmpf olt, %get3A_129, %lt3A_131 : vector<16xf32>
        %jit3A = arith.constant 1 : i32
        %jit3A_133 = arith.constant 0 : i32
        %broadcast_in_dim3A_134 = vector.broadcast %jit3A : i32 to vector<16xi32>
        %broadcast_in_dim3A_135 = vector.broadcast %jit3A_133 : i32 to vector<16xi32>
        %select_n3A = arith.select %lt3A_132, %broadcast_in_dim3A_134, %broadcast_in_dim3A_135 : vector<16xi1>, vector<16xi32>
        %add3A_136 = arith.addi %mul3A_103, %mul3A_115 : i32
        %mul3A_137 = arith.constant 2 : i32
        %mul3A_138 = arith.muli %mul3A_137, %add3A_136 : i32
        %add3A_139 = arith.constant 2 : i32
        %add3A_140 = arith.addi %mul3A_138, %add3A_139 : i32
        %add3A_141 = vector.broadcast %add3A_140 : i32 to vector<16xi32>
        %add3A_142 = arith.addi %add3A_141, %mul3A_3 : vector<16xi32>
        %add3A_143 = arith.addi %add3A_142, %select_n3A : vector<16xi32>
        tpu.vector_store_idx %arg10[%and3A_124], %add3A_143 masked %eq3A_127 : memref<8192xi32, #tpu.memory_space<vmem>>[vector<16xi32>], vector<16xi32>, vector<16xi1>
        %scan3A_144 = arith.constant 0 : i32
        %scan3A_145 = arith.constant 1 : i32
        %scan3A_146 = arith.addi %scan3A_112, %scan3A_145 : i32
        %mul3A_147 = arith.constant 16 : i32
        %mul3A_148 = arith.muli %scan3A_146, %mul3A_147 : i32
        %get3A_149 = arith.index_cast %mul3A_148 : i32 to index
        %get3A_150 = tpu.vector_load %arg14[%get3A_149] {strides = array<i32>} : memref<4096xi32, #tpu.memory_space<vmem>>, vector<16xi32>,
        %get3A_151 = arith.index_cast %mul3A_148 : i32 to index
        %get3A_152 = tpu.vector_load %arg15[%get3A_151] {strides = array<i32>} : memref<4096xi32, #tpu.memory_space<vmem>>, vector<16xi32>,
        %mul3A_153 = arith.constant 512 : i32
        %mul3A_154 = vector.broadcast %mul3A_153 : i32 to vector<16xi32>
        %mul3A_155 = arith.muli %get3A_150, %mul3A_154 : vector<16xi32>
        %add3A_156 = arith.addi %mul3A_155, %get3A_152 : vector<16xi32>
        %and3A_157 = arith.constant 8191 : i32
        %and3A_158 = vector.broadcast %and3A_157 : i32 to vector<16xi32>
        %and3A_159 = arith.andi %add3A_156, %and3A_158 : vector<16xi32>
        %shift_right_logical3A_160 = arith.constant 13 : i32
        %shift_right_logical3A_161 = vector.broadcast %shift_right_logical3A_160 : i32 to vector<16xi32>
        %shift_right_logical3A_162 = arith.shrui %add3A_156, %shift_right_logical3A_161 : vector<16xi32>
        %eq3A_163 = vector.broadcast %add3A : i32 to vector<16xi32>
        %eq3A_164 = arith.cmpi eq, %shift_right_logical3A_162, %eq3A_163 : vector<16xi32>
        %get3A_165 = arith.index_cast %mul3A_148 : i32 to index
        %get3A_166 = tpu.vector_load %arg16[%get3A_165] {strides = array<i32>} : memref<4096xf32, #tpu.memory_space<vmem>>, vector<16xf32>,
        %lt3A_167 = arith.constant 1.000000e-01 : f32
        %lt3A_168 = vector.broadcast %lt3A_167 : f32 to vector<16xf32>
        %lt3A_169 = arith.cmpf olt, %get3A_166, %lt3A_168 : vector<16xf32>
        %jit3A_170 = arith.constant 1 : i32
        %jit3A_171 = arith.constant 0 : i32
        %broadcast_in_dim3A_172 = vector.broadcast %jit3A_170 : i32 to vector<16xi32>
        %broadcast_in_dim3A_173 = vector.broadcast %jit3A_171 : i32 to vector<16xi32>
        %select_n3A_174 = arith.select %lt3A_169, %broadcast_in_dim3A_172, %broadcast_in_dim3A_173 : vector<16xi1>, vector<16xi32>
        %add3A_175 = arith.addi %mul3A_103, %mul3A_148 : i32
        %mul3A_176 = arith.constant 2 : i32
        %mul3A_177 = arith.muli %mul3A_176, %add3A_175 : i32
        %add3A_178 = arith.constant 2 : i32
        %add3A_179 = arith.addi %mul3A_177, %add3A_178 : i32
        %add3A_180 = vector.broadcast %add3A_179 : i32 to vector<16xi32>
        %add3A_181 = arith.addi %add3A_180, %mul3A_3 : vector<16xi32>
        %add3A_182 = arith.addi %add3A_181, %select_n3A_174 : vector<16xi32>
        tpu.vector_store_idx %arg10[%and3A_159], %add3A_182 masked %eq3A_164 : memref<8192xi32, #tpu.memory_space<vmem>>[vector<16xi32>], vector<16xi32>, vector<16xi1>
        %scan3A_183 = arith.constant 0 : i32
        %scan3A_184 = arith.constant 2 : i32
        %scan3A_185 = arith.addi %scan3A_112, %scan3A_184 : i32
        %mul3A_186 = arith.constant 16 : i32
        %mul3A_187 = arith.muli %scan3A_185, %mul3A_186 : i32
        %get3A_188 = arith.index_cast %mul3A_187 : i32 to index
        %get3A_189 = tpu.vector_load %arg14[%get3A_188] {strides = array<i32>} : memref<4096xi32, #tpu.memory_space<vmem>>, vector<16xi32>,
        %get3A_190 = arith.index_cast %mul3A_187 : i32 to index
        %get3A_191 = tpu.vector_load %arg15[%get3A_190] {strides = array<i32>} : memref<4096xi32, #tpu.memory_space<vmem>>, vector<16xi32>,
        %mul3A_192 = arith.constant 512 : i32
        %mul3A_193 = vector.broadcast %mul3A_192 : i32 to vector<16xi32>
        %mul3A_194 = arith.muli %get3A_189, %mul3A_193 : vector<16xi32>
        %add3A_195 = arith.addi %mul3A_194, %get3A_191 : vector<16xi32>
        %and3A_196 = arith.constant 8191 : i32
        %and3A_197 = vector.broadcast %and3A_196 : i32 to vector<16xi32>
        %and3A_198 = arith.andi %add3A_195, %and3A_197 : vector<16xi32>
        %shift_right_logical3A_199 = arith.constant 13 : i32
        %shift_right_logical3A_200 = vector.broadcast %shift_right_logical3A_199 : i32 to vector<16xi32>
        %shift_right_logical3A_201 = arith.shrui %add3A_195, %shift_right_logical3A_200 : vector<16xi32>
        %eq3A_202 = vector.broadcast %add3A : i32 to vector<16xi32>
        %eq3A_203 = arith.cmpi eq, %shift_right_logical3A_201, %eq3A_202 : vector<16xi32>
        %get3A_204 = arith.index_cast %mul3A_187 : i32 to index
        %get3A_205 = tpu.vector_load %arg16[%get3A_204] {strides = array<i32>} : memref<4096xf32, #tpu.memory_space<vmem>>, vector<16xf32>,
        %lt3A_206 = arith.constant 1.000000e-01 : f32
        %lt3A_207 = vector.broadcast %lt3A_206 : f32 to vector<16xf32>
        %lt3A_208 = arith.cmpf olt, %get3A_205, %lt3A_207 : vector<16xf32>
        %jit3A_209 = arith.constant 1 : i32
        %jit3A_210 = arith.constant 0 : i32
        %broadcast_in_dim3A_211 = vector.broadcast %jit3A_209 : i32 to vector<16xi32>
        %broadcast_in_dim3A_212 = vector.broadcast %jit3A_210 : i32 to vector<16xi32>
        %select_n3A_213 = arith.select %lt3A_208, %broadcast_in_dim3A_211, %broadcast_in_dim3A_212 : vector<16xi1>, vector<16xi32>
        %add3A_214 = arith.addi %mul3A_103, %mul3A_187 : i32
        %mul3A_215 = arith.constant 2 : i32
        %mul3A_216 = arith.muli %mul3A_215, %add3A_214 : i32
        %add3A_217 = arith.constant 2 : i32
        %add3A_218 = arith.addi %mul3A_216, %add3A_217 : i32
        %add3A_219 = vector.broadcast %add3A_218 : i32 to vector<16xi32>
        %add3A_220 = arith.addi %add3A_219, %mul3A_3 : vector<16xi32>
        %add3A_221 = arith.addi %add3A_220, %select_n3A_213 : vector<16xi32>
        tpu.vector_store_idx %arg10[%and3A_198], %add3A_221 masked %eq3A_203 : memref<8192xi32, #tpu.memory_space<vmem>>[vector<16xi32>], vector<16xi32>, vector<16xi1>
        %scan3A_222 = arith.constant 0 : i32
        %scan3A_223 = arith.constant 3 : i32
        %scan3A_224 = arith.addi %scan3A_112, %scan3A_223 : i32
        %mul3A_225 = arith.constant 16 : i32
        %mul3A_226 = arith.muli %scan3A_224, %mul3A_225 : i32
        %get3A_227 = arith.index_cast %mul3A_226 : i32 to index
        %get3A_228 = tpu.vector_load %arg14[%get3A_227] {strides = array<i32>} : memref<4096xi32, #tpu.memory_space<vmem>>, vector<16xi32>,
        %get3A_229 = arith.index_cast %mul3A_226 : i32 to index
        %get3A_230 = tpu.vector_load %arg15[%get3A_229] {strides = array<i32>} : memref<4096xi32, #tpu.memory_space<vmem>>, vector<16xi32>,
        %mul3A_231 = arith.constant 512 : i32
        %mul3A_232 = vector.broadcast %mul3A_231 : i32 to vector<16xi32>
        %mul3A_233 = arith.muli %get3A_228, %mul3A_232 : vector<16xi32>
        %add3A_234 = arith.addi %mul3A_233, %get3A_230 : vector<16xi32>
        %and3A_235 = arith.constant 8191 : i32
        %and3A_236 = vector.broadcast %and3A_235 : i32 to vector<16xi32>
        %and3A_237 = arith.andi %add3A_234, %and3A_236 : vector<16xi32>
        %shift_right_logical3A_238 = arith.constant 13 : i32
        %shift_right_logical3A_239 = vector.broadcast %shift_right_logical3A_238 : i32 to vector<16xi32>
        %shift_right_logical3A_240 = arith.shrui %add3A_234, %shift_right_logical3A_239 : vector<16xi32>
        %eq3A_241 = vector.broadcast %add3A : i32 to vector<16xi32>
        %eq3A_242 = arith.cmpi eq, %shift_right_logical3A_240, %eq3A_241 : vector<16xi32>
        %get3A_243 = arith.index_cast %mul3A_226 : i32 to index
        %get3A_244 = tpu.vector_load %arg16[%get3A_243] {strides = array<i32>} : memref<4096xf32, #tpu.memory_space<vmem>>, vector<16xf32>,
        %lt3A_245 = arith.constant 1.000000e-01 : f32
        %lt3A_246 = vector.broadcast %lt3A_245 : f32 to vector<16xf32>
        %lt3A_247 = arith.cmpf olt, %get3A_244, %lt3A_246 : vector<16xf32>
        %jit3A_248 = arith.constant 1 : i32
        %jit3A_249 = arith.constant 0 : i32
        %broadcast_in_dim3A_250 = vector.broadcast %jit3A_248 : i32 to vector<16xi32>
        %broadcast_in_dim3A_251 = vector.broadcast %jit3A_249 : i32 to vector<16xi32>
        %select_n3A_252 = arith.select %lt3A_247, %broadcast_in_dim3A_250, %broadcast_in_dim3A_251 : vector<16xi1>, vector<16xi32>
        %add3A_253 = arith.addi %mul3A_103, %mul3A_226 : i32
        %mul3A_254 = arith.constant 2 : i32
        %mul3A_255 = arith.muli %mul3A_254, %add3A_253 : i32
        %add3A_256 = arith.constant 2 : i32
        %add3A_257 = arith.addi %mul3A_255, %add3A_256 : i32
        %add3A_258 = vector.broadcast %add3A_257 : i32 to vector<16xi32>
        %add3A_259 = arith.addi %add3A_258, %mul3A_3 : vector<16xi32>
        %add3A_260 = arith.addi %add3A_259, %select_n3A_252 : vector<16xi32>
        tpu.vector_store_idx %arg10[%and3A_237], %add3A_260 masked %eq3A_242 : memref<8192xi32, #tpu.memory_space<vmem>>[vector<16xi32>], vector<16xi32>, vector<16xi1>
        %scan3A_261 = arith.constant 0 : i32
        scf.yield %scan3A_261 : i32
      }
      %scan3A_110 = arith.constant 256 : i32
      %scan3A_111 = arith.constant 0 : i32
      scf.yield %scan3A_111 : i32
    }
    %scan3A_28 = arith.constant 16 : i32
    %mul3A_29 = arith.constant 8192 : i32
    %mul3A_30 = arith.muli %add3A, %mul3A_29 : i32
    "tpu.region"() ({
      %run_scoped3A = tpu.sem_alloc : memref<!tpu.dma_semaphore, #tpu.memory_space<semaphore_mem>>
      %dma_start3A_54 = tpu.memref_slice %arg7[%mul3A_30] : memref<262144xf32, #tpu.memory_space<hbm>> -> memref<8192xf32, #tpu.memory_space<hbm>>
      %dma_start3A_55 = tpu.memref_slice %arg7[%mul3A_30] : memref<262144xf32, #tpu.memory_space<hbm>> -> memref<8192xf32, #tpu.memory_space<hbm>>
      tpu.enqueue_dma source(%dma_start3A_55 : memref<8192xf32, #tpu.memory_space<hbm>>) target(%arg21 : memref<8192xf32, #tpu.memory_space<vmem>>) target_semaphore(%run_scoped3A : memref<!tpu.dma_semaphore, #tpu.memory_space<semaphore_mem>>)
      %dma_wait3A = tpu.memref_slice %arg7[%mul3A_30] : memref<262144xf32, #tpu.memory_space<hbm>> -> memref<8192xf32, #tpu.memory_space<hbm>>
      %dma_wait3A_56 = tpu.memref_slice %arg7[%mul3A_30] : memref<262144xf32, #tpu.memory_space<hbm>> -> memref<8192xf32, #tpu.memory_space<hbm>>
      tpu.wait_dma2 semaphore(%run_scoped3A : memref<!tpu.dma_semaphore, #tpu.memory_space<semaphore_mem>>) src(%dma_wait3A_56 : memref<8192xf32, #tpu.memory_space<hbm>>) dst(%arg21 : memref<8192xf32, #tpu.memory_space<vmem>>)
      tpu.yield
    }) : () -> ()
    %scan3A_31 = arith.constant 0 : i32
    %scan3A_32 = arith.constant 0 : i32
    %scan3A_33 = arith.constant 512 : i32
    %scan3A_34 = arith.addi %scan3A_32, %scan3A_33 : i32
    %scan3A_35 = arith.constant 1 : i32
    %scan3A_36 = scf.for %scan3A_54 = %scan3A_32 to %scan3A_34 step %scan3A_35 iter_args(%scan3A_55 = %scan3A_31) -> (i32)  : i32 {
      %mul3A_56 = arith.constant 16 : i32
      %mul3A_57 = arith.muli %scan3A_54, %mul3A_56 : i32
      %get3A = arith.index_cast %mul3A_57 : i32 to index
      %get3A_58 = tpu.vector_load %arg10[%get3A] {strides = array<i32>} : memref<8192xi32, #tpu.memory_space<vmem>>, vector<16xi32>,
      %and3A = arith.constant 1 : i32
      %and3A_59 = vector.broadcast %and3A : i32 to vector<16xi32>
      %and3A_60 = arith.andi %get3A_58, %and3A_59 : vector<16xi32>
      %eq3A = arith.constant 1 : i32
      %eq3A_61 = vector.broadcast %eq3A : i32 to vector<16xi32>
      %eq3A_62 = arith.cmpi eq, %and3A_60, %eq3A_61 : vector<16xi32>
      %add3A_63 = arith.addi %mul3A_30, %mul3A_57 : i32
      %add3A_64 = vector.broadcast %add3A_63 : i32 to vector<16xi32>
      %add3A_65 = arith.addi %add3A_64, %iota3A : vector<16xi32>
      %shift_right_logical3A = arith.constant 1 : i32
      %shift_right_logical3A_66 = vector.broadcast %shift_right_logical3A : i32 to vector<16xi32>
      %shift_right_logical3A_67 = arith.shrui %get3A_58, %shift_right_logical3A_66 : vector<16xi32>
      %sub3A = arith.constant 1 : i32
      %sub3A_68 = vector.broadcast %sub3A : i32 to vector<16xi32>
      %sub3A_69 = arith.subi %shift_right_logical3A_67, %sub3A_68 : vector<16xi32>
      %swap3A = arith.index_cast %scan3A_55 : i32 to index
      %swap3A_70 = tpu.vector_load %arg19[%swap3A] masked %eq3A_62 {strides = array<i32>} : memref<8256xi32, #tpu.memory_space<vmem>>, vector<16xi32>, vector<16xi1>
      tpu.vector_store %arg19[%swap3A], %add3A_65 masked %eq3A_62 {strides = array<i32>} : memref<8256xi32, #tpu.memory_space<vmem>>, vector<16xi32>, vector<16xi1>
      %swap3A_71 = arith.index_cast %scan3A_55 : i32 to index
      %swap3A_72 = tpu.vector_load %arg20[%swap3A_71] masked %eq3A_62 {strides = array<i32>} : memref<8256xi32, #tpu.memory_space<vmem>>, vector<16xi32>, vector<16xi1>
      tpu.vector_store %arg20[%swap3A_71], %sub3A_69 masked %eq3A_62 {strides = array<i32>} : memref<8256xi32, #tpu.memory_space<vmem>>, vector<16xi32>, vector<16xi1>
      %get3A_73 = arith.index_cast %mul3A_57 : i32 to index
      %get3A_74 = tpu.vector_load %arg21[%get3A_73] {strides = array<i32>} : memref<8192xf32, #tpu.memory_space<vmem>>, vector<16xf32>,
      %add3A_75 = arith.constant 1.000000e-01 : f32
      %add3A_76 = vector.broadcast %add3A_75 : f32 to vector<16xf32>
      %add3A_77 = arith.addf %get3A_74, %add3A_76 : vector<16xf32>
      %min3A = arith.constant 1.000000e+00 : f32
      %min3A_78 = vector.broadcast %min3A : f32 to vector<16xf32>
      %min3A_79 = arith.minimumf %add3A_77, %min3A_78 : vector<16xf32>
      %select_n3A = arith.select %eq3A_62, %min3A_79, %get3A_74 : vector<16xi1>, vector<16xf32>
      %swap3A_80 = arith.index_cast %mul3A_57 : i32 to index
      %swap3A_81 = tpu.vector_load %arg21[%swap3A_80] {strides = array<i32>} : memref<8192xf32, #tpu.memory_space<vmem>>, vector<16xf32>,
      tpu.vector_store %arg21[%swap3A_80], %select_n3A {strides = array<i32>} : memref<8192xf32, #tpu.memory_space<vmem>>, vector<16xf32>,
      %jit3A = arith.constant 1 : i32
      %jit3A_82 = arith.constant 0 : i32
      %broadcast_in_dim3A_83 = vector.broadcast %jit3A : i32 to vector<16xi32>
      %broadcast_in_dim3A_84 = vector.broadcast %jit3A_82 : i32 to vector<16xi32>
      %select_n3A_85 = arith.select %eq3A_62, %broadcast_in_dim3A_83, %broadcast_in_dim3A_84 : vector<16xi1>, vector<16xi32>
      %reduce_sum3A = arith.constant true
      %reduce_sum3A_86 = vector.broadcast %reduce_sum3A : i1 to vector<16xi1>
      %reduce_sum3A_87 = tpu.scan <sum>, %select_n3A_85 masked %reduce_sum3A_86 : vector<16xi32>, vector<16xi1> -> vector<16xi32>
      %reduce_sum3A_88 = vector.extract %reduce_sum3A_87[15] : i32 from vector<16xi32>
      %add3A_89 = arith.addi %scan3A_55, %reduce_sum3A_88 : i32
      scf.yield %add3A_89 : i32
    }
    %scan3A_37 = arith.constant 512 : i32
    "tpu.region"() ({
      %run_scoped3A = tpu.sem_alloc : memref<!tpu.dma_semaphore, #tpu.memory_space<semaphore_mem>>
      %dma_start3A_54 = tpu.memref_slice %arg7[%mul3A_30] : memref<262144xf32, #tpu.memory_space<hbm>> -> memref<8192xf32, #tpu.memory_space<hbm>>
      %dma_start3A_55 = tpu.memref_slice %arg7[%mul3A_30] : memref<262144xf32, #tpu.memory_space<hbm>> -> memref<8192xf32, #tpu.memory_space<hbm>>
      tpu.enqueue_dma source(%arg21 : memref<8192xf32, #tpu.memory_space<vmem>>) target(%dma_start3A_55 : memref<8192xf32, #tpu.memory_space<hbm>>) target_semaphore(%run_scoped3A : memref<!tpu.dma_semaphore, #tpu.memory_space<semaphore_mem>>)
      %dma_wait3A = tpu.memref_slice %arg7[%mul3A_30] : memref<262144xf32, #tpu.memory_space<hbm>> -> memref<8192xf32, #tpu.memory_space<hbm>>
      %dma_wait3A_56 = tpu.memref_slice %arg7[%mul3A_30] : memref<262144xf32, #tpu.memory_space<hbm>> -> memref<8192xf32, #tpu.memory_space<hbm>>
      tpu.wait_dma2 semaphore(%run_scoped3A : memref<!tpu.dma_semaphore, #tpu.memory_space<semaphore_mem>>) src(%arg21 : memref<8192xf32, #tpu.memory_space<vmem>>) dst(%dma_wait3A_56 : memref<8192xf32, #tpu.memory_space<hbm>>)
      tpu.yield
    }) : () -> ()
    %gt3A = arith.constant 0 : i32
    %gt3A_38 = arith.cmpi sgt, %scan3A_36, %gt3A : i32
    %convert_element_type3A = arith.extui %gt3A_38 : i1 to i32
    %cond3A = arith.constant 0 : i32
    %cond3A_39 = arith.cmpi ne, %convert_element_type3A, %cond3A : i32
    scf.if %cond3A_39 {
      %sub3A = arith.constant 1 : i32
      %sub3A_54 = arith.subi %scan3A_36, %sub3A : i32
      %broadcast_in_dim3A_55 = vector.broadcast %sub3A_54 : i32 to vector<16xi32>
      %gather3A = tpu.vector_load_idx %arg19[%broadcast_in_dim3A_55] : memref<8256xi32, #tpu.memory_space<vmem>>[vector<16xi32>], vector<16xi32>,
      %gather3A_56 = tpu.vector_load_idx %arg20[%broadcast_in_dim3A_55] : memref<8256xi32, #tpu.memory_space<vmem>>[vector<16xi32>], vector<16xi32>,
      %add3A_57 = arith.constant 0 : i32
      %add3A_58 = arith.addi %scan3A_36, %add3A_57 : i32
      %swap3A = arith.index_cast %add3A_58 : i32 to index
      %swap3A_59 = tpu.vector_load %arg19[%swap3A] {strides = array<i32>} : memref<8256xi32, #tpu.memory_space<vmem>>, vector<16xi32>,
      tpu.vector_store %arg19[%swap3A], %gather3A {strides = array<i32>} : memref<8256xi32, #tpu.memory_space<vmem>>, vector<16xi32>,
      %add3A_60 = arith.constant 0 : i32
      %add3A_61 = arith.addi %scan3A_36, %add3A_60 : i32
      %swap3A_62 = arith.index_cast %add3A_61 : i32 to index
      %swap3A_63 = tpu.vector_load %arg20[%swap3A_62] {strides = array<i32>} : memref<8256xi32, #tpu.memory_space<vmem>>, vector<16xi32>,
      tpu.vector_store %arg20[%swap3A_62], %gather3A_56 {strides = array<i32>} : memref<8256xi32, #tpu.memory_space<vmem>>, vector<16xi32>,
      %add3A_64 = arith.constant 16 : i32
      %add3A_65 = arith.addi %scan3A_36, %add3A_64 : i32
      %swap3A_66 = arith.index_cast %add3A_65 : i32 to index
      %swap3A_67 = tpu.vector_load %arg19[%swap3A_66] {strides = array<i32>} : memref<8256xi32, #tpu.memory_space<vmem>>, vector<16xi32>,
      tpu.vector_store %arg19[%swap3A_66], %gather3A {strides = array<i32>} : memref<8256xi32, #tpu.memory_space<vmem>>, vector<16xi32>,
      %add3A_68 = arith.constant 16 : i32
      %add3A_69 = arith.addi %scan3A_36, %add3A_68 : i32
      %swap3A_70 = arith.index_cast %add3A_69 : i32 to index
      %swap3A_71 = tpu.vector_load %arg20[%swap3A_70] {strides = array<i32>} : memref<8256xi32, #tpu.memory_space<vmem>>, vector<16xi32>,
      tpu.vector_store %arg20[%swap3A_70], %gather3A_56 {strides = array<i32>} : memref<8256xi32, #tpu.memory_space<vmem>>, vector<16xi32>,
      %add3A_72 = arith.constant 32 : i32
      %add3A_73 = arith.addi %scan3A_36, %add3A_72 : i32
      %swap3A_74 = arith.index_cast %add3A_73 : i32 to index
      %swap3A_75 = tpu.vector_load %arg19[%swap3A_74] {strides = array<i32>} : memref<8256xi32, #tpu.memory_space<vmem>>, vector<16xi32>,
      tpu.vector_store %arg19[%swap3A_74], %gather3A {strides = array<i32>} : memref<8256xi32, #tpu.memory_space<vmem>>, vector<16xi32>,
      %add3A_76 = arith.constant 32 : i32
      %add3A_77 = arith.addi %scan3A_36, %add3A_76 : i32
      %swap3A_78 = arith.index_cast %add3A_77 : i32 to index
      %swap3A_79 = tpu.vector_load %arg20[%swap3A_78] {strides = array<i32>} : memref<8256xi32, #tpu.memory_space<vmem>>, vector<16xi32>,
      tpu.vector_store %arg20[%swap3A_78], %gather3A_56 {strides = array<i32>} : memref<8256xi32, #tpu.memory_space<vmem>>, vector<16xi32>,
      %add3A_80 = arith.constant 48 : i32
      %add3A_81 = arith.addi %scan3A_36, %add3A_80 : i32
      %swap3A_82 = arith.index_cast %add3A_81 : i32 to index
      %swap3A_83 = tpu.vector_load %arg19[%swap3A_82] {strides = array<i32>} : memref<8256xi32, #tpu.memory_space<vmem>>, vector<16xi32>,
      tpu.vector_store %arg19[%swap3A_82], %gather3A {strides = array<i32>} : memref<8256xi32, #tpu.memory_space<vmem>>, vector<16xi32>,
      %add3A_84 = arith.constant 48 : i32
      %add3A_85 = arith.addi %scan3A_36, %add3A_84 : i32
      %swap3A_86 = arith.index_cast %add3A_85 : i32 to index
      %swap3A_87 = tpu.vector_load %arg20[%swap3A_86] {strides = array<i32>} : memref<8256xi32, #tpu.memory_space<vmem>>, vector<16xi32>,
      tpu.vector_store %arg20[%swap3A_86], %gather3A_56 {strides = array<i32>} : memref<8256xi32, #tpu.memory_space<vmem>>, vector<16xi32>,
    } else {
    }
    %add3A_40 = arith.constant 63 : i32
    %add3A_41 = arith.addi %scan3A_36, %add3A_40 : i32
    %div3A = arith.constant 64 : i32
    %div3A_42 = arith.divsi %add3A_41, %div3A : i32
    %while3A = arith.constant 0 : i32
    %while3A_43 = arith.constant 0 : i32
    %while3A_44 = arith.subi %div3A_42, %while3A : i32
    %while3A_45 = arith.addi %while3A, %while3A_44 : i32
    %while3A_46 = arith.constant 1 : i32
    %while3A_47 = arith.divsi %while3A_44, %while3A_46 : i32
    %while3A_48 = arith.muli %while3A_47, %while3A_46 : i32
    %while3A_49 = arith.addi %while3A, %while3A_48 : i32
    %while3A_50 = arith.constant 1 : i32
    %while3A_51 = scf.for %while3A_54 = %while3A to %while3A_49 step %while3A_50 iter_args(%while3A_55 = %while3A_43) -> (i32)  : i32 {
      %mul3A_56 = arith.constant 64 : i32
      %mul3A_57 = arith.muli %while3A_54, %mul3A_56 : i32
      %add3A_58 = arith.constant 0 : i32
      %add3A_59 = arith.addi %mul3A_57, %add3A_58 : i32
      %get3A = arith.index_cast %add3A_59 : i32 to index
      %get3A_60 = tpu.vector_load %arg19[%get3A] {strides = array<i32>} : memref<8256xi32, #tpu.memory_space<vmem>>, vector<16xi32>,
      %swap3A = arith.constant 0 : index
      %swap3A_61 = tpu.vector_load %arg22[%swap3A] {strides = array<i32>} : memref<64xi32, #tpu.memory_space<vmem>>, vector<16xi32>,
      tpu.vector_store %arg22[%swap3A], %get3A_60 {strides = array<i32>} : memref<64xi32, #tpu.memory_space<vmem>>, vector<16xi32>,
      %add3A_62 = arith.constant 0 : i32
      %add3A_63 = arith.addi %mul3A_57, %add3A_62 : i32
      %get3A_64 = arith.index_cast %add3A_63 : i32 to index
      %get3A_65 = tpu.vector_load %arg20[%get3A_64] {strides = array<i32>} : memref<8256xi32, #tpu.memory_space<vmem>>, vector<16xi32>,
      %swap3A_66 = arith.constant 0 : index
      %swap3A_67 = tpu.vector_load %arg23[%swap3A_66] {strides = array<i32>} : memref<64xi32, #tpu.memory_space<vmem>>, vector<16xi32>,
      tpu.vector_store %arg23[%swap3A_66], %get3A_65 {strides = array<i32>} : memref<64xi32, #tpu.memory_space<vmem>>, vector<16xi32>,
      %add3A_68 = arith.constant 16 : i32
      %add3A_69 = arith.addi %mul3A_57, %add3A_68 : i32
      %get3A_70 = arith.index_cast %add3A_69 : i32 to index
      %get3A_71 = tpu.vector_load %arg19[%get3A_70] {strides = array<i32>} : memref<8256xi32, #tpu.memory_space<vmem>>, vector<16xi32>,
      %swap3A_72 = arith.constant 16 : index
      %swap3A_73 = tpu.vector_load %arg22[%swap3A_72] {strides = array<i32>} : memref<64xi32, #tpu.memory_space<vmem>>, vector<16xi32>,
      tpu.vector_store %arg22[%swap3A_72], %get3A_71 {strides = array<i32>} : memref<64xi32, #tpu.memory_space<vmem>>, vector<16xi32>,
      %add3A_74 = arith.constant 16 : i32
      %add3A_75 = arith.addi %mul3A_57, %add3A_74 : i32
      %get3A_76 = arith.index_cast %add3A_75 : i32 to index
      %get3A_77 = tpu.vector_load %arg20[%get3A_76] {strides = array<i32>} : memref<8256xi32, #tpu.memory_space<vmem>>, vector<16xi32>,
      %swap3A_78 = arith.constant 16 : index
      %swap3A_79 = tpu.vector_load %arg23[%swap3A_78] {strides = array<i32>} : memref<64xi32, #tpu.memory_space<vmem>>, vector<16xi32>,
      tpu.vector_store %arg23[%swap3A_78], %get3A_77 {strides = array<i32>} : memref<64xi32, #tpu.memory_space<vmem>>, vector<16xi32>,
      %add3A_80 = arith.constant 32 : i32
      %add3A_81 = arith.addi %mul3A_57, %add3A_80 : i32
      %get3A_82 = arith.index_cast %add3A_81 : i32 to index
      %get3A_83 = tpu.vector_load %arg19[%get3A_82] {strides = array<i32>} : memref<8256xi32, #tpu.memory_space<vmem>>, vector<16xi32>,
      %swap3A_84 = arith.constant 32 : index
      %swap3A_85 = tpu.vector_load %arg22[%swap3A_84] {strides = array<i32>} : memref<64xi32, #tpu.memory_space<vmem>>, vector<16xi32>,
      tpu.vector_store %arg22[%swap3A_84], %get3A_83 {strides = array<i32>} : memref<64xi32, #tpu.memory_space<vmem>>, vector<16xi32>,
      %add3A_86 = arith.constant 32 : i32
      %add3A_87 = arith.addi %mul3A_57, %add3A_86 : i32
      %get3A_88 = arith.index_cast %add3A_87 : i32 to index
      %get3A_89 = tpu.vector_load %arg20[%get3A_88] {strides = array<i32>} : memref<8256xi32, #tpu.memory_space<vmem>>, vector<16xi32>,
      %swap3A_90 = arith.constant 32 : index
      %swap3A_91 = tpu.vector_load %arg23[%swap3A_90] {strides = array<i32>} : memref<64xi32, #tpu.memory_space<vmem>>, vector<16xi32>,
      tpu.vector_store %arg23[%swap3A_90], %get3A_89 {strides = array<i32>} : memref<64xi32, #tpu.memory_space<vmem>>, vector<16xi32>,
      %add3A_92 = arith.constant 48 : i32
      %add3A_93 = arith.addi %mul3A_57, %add3A_92 : i32
      %get3A_94 = arith.index_cast %add3A_93 : i32 to index
      %get3A_95 = tpu.vector_load %arg19[%get3A_94] {strides = array<i32>} : memref<8256xi32, #tpu.memory_space<vmem>>, vector<16xi32>,
      %swap3A_96 = arith.constant 48 : index
      %swap3A_97 = tpu.vector_load %arg22[%swap3A_96] {strides = array<i32>} : memref<64xi32, #tpu.memory_space<vmem>>, vector<16xi32>,
      tpu.vector_store %arg22[%swap3A_96], %get3A_95 {strides = array<i32>} : memref<64xi32, #tpu.memory_space<vmem>>, vector<16xi32>,
      %add3A_98 = arith.constant 48 : i32
      %add3A_99 = arith.addi %mul3A_57, %add3A_98 : i32
      %get3A_100 = arith.index_cast %add3A_99 : i32 to index
      %get3A_101 = tpu.vector_load %arg20[%get3A_100] {strides = array<i32>} : memref<8256xi32, #tpu.memory_space<vmem>>, vector<16xi32>,
      %swap3A_102 = arith.constant 48 : index
      %swap3A_103 = tpu.vector_load %arg23[%swap3A_102] {strides = array<i32>} : memref<64xi32, #tpu.memory_space<vmem>>, vector<16xi32>,
      tpu.vector_store %arg23[%swap3A_102], %get3A_101 {strides = array<i32>} : memref<64xi32, #tpu.memory_space<vmem>>, vector<16xi32>,
      %dma_start3A_104 = arith.constant 0 : i32
      %dma_start3A_105 = arith.constant 0 : i32
      %dma_start3A_106 = tpu.memref_slice %arg6[%dma_start3A_104, %dma_start3A_105] : memref<262144x128xf32, #tpu.memory_space<hbm>> -> memref<262144x128xf32, #tpu.memory_space<hbm>>
      tpu.enqueue_indirect_dma source(%dma_start3A_106 : memref<262144x128xf32, #tpu.memory_space<hbm>>) target(%arg24 : memref<64x128xf32, #tpu.memory_space<vmem>>) offsets(%arg22 : memref<64xi32, #tpu.memory_space<vmem>>) semaphore(%arg26 : memref<!tpu.dma_semaphore, #tpu.memory_space<semaphore_mem>>)
      %dma_start3A_107 = arith.constant 0 : i32
      %dma_start3A_108 = arith.constant 0 : i32
      %dma_start3A_109 = tpu.memref_slice %arg5[%dma_start3A_107, %dma_start3A_108] : memref<131072x128xf32, #tpu.memory_space<hbm>> -> memref<131072x128xf32, #tpu.memory_space<hbm>>
      tpu.enqueue_indirect_dma source(%dma_start3A_109 : memref<131072x128xf32, #tpu.memory_space<hbm>>) target(%arg25 : memref<64x128xf32, #tpu.memory_space<vmem>>) offsets(%arg23 : memref<64xi32, #tpu.memory_space<vmem>>) semaphore(%arg27 : memref<!tpu.dma_semaphore, #tpu.memory_space<semaphore_mem>>)
      %dma_wait3A = arith.constant 0 : i32
      %dma_wait3A_110 = arith.constant 0 : i32
      %dma_wait3A_111 = tpu.memref_slice %arg6[%dma_wait3A, %dma_wait3A_110] : memref<262144x128xf32, #tpu.memory_space<hbm>> -> memref<262144x128xf32, #tpu.memory_space<hbm>>
      tpu.wait_indirect_dma semaphore(%arg26 : memref<!tpu.dma_semaphore, #tpu.memory_space<semaphore_mem>>) src(%dma_wait3A_111 : memref<262144x128xf32, #tpu.memory_space<hbm>>) dst(%arg24 : memref<64x128xf32, #tpu.memory_space<vmem>>)
      %dma_wait3A_112 = arith.constant 0 : i32
      %dma_wait3A_113 = arith.constant 0 : i32
      %dma_wait3A_114 = tpu.memref_slice %arg5[%dma_wait3A_112, %dma_wait3A_113] : memref<131072x128xf32, #tpu.memory_space<hbm>> -> memref<131072x128xf32, #tpu.memory_space<hbm>>
      tpu.wait_indirect_dma semaphore(%arg27 : memref<!tpu.dma_semaphore, #tpu.memory_space<semaphore_mem>>) src(%dma_wait3A_114 : memref<131072x128xf32, #tpu.memory_space<hbm>>) dst(%arg25 : memref<64x128xf32, #tpu.memory_space<vmem>>)
      %scan3A_115 = arith.constant 0 : i32
      %scan3A_116 = arith.constant 0 : i32
      %scan3A_117 = arith.constant 512 : i32
      %scan3A_118 = arith.addi %scan3A_116, %scan3A_117 : i32
      %scan3A_119 = arith.constant 8 : i32
      %scan3A_120 = scf.for %scan3A_129 = %scan3A_116 to %scan3A_118 step %scan3A_119 iter_args(%scan3A_130 = %scan3A_115) -> (i32)  : i32 {
        %shift_right_logical3A = arith.constant 3 : i32
        %shift_right_logical3A_131 = arith.shrui %scan3A_129, %shift_right_logical3A : i32
        %and3A = arith.constant 7 : i32
        %and3A_132 = arith.andi %scan3A_129, %and3A : i32
        %mul3A_133 = arith.constant 16 : i32
        %mul3A_134 = arith.muli %and3A_132, %mul3A_133 : i32
        %get3A_135 = arith.index_cast %shift_right_logical3A_131 : i32 to index
        %get3A_136 = arith.index_cast %mul3A_134 : i32 to index
        %get3A_137 = tpu.vector_load %arg24[%get3A_135, %get3A_136] {strides = array<i32>} : memref<64x128xf32, #tpu.memory_space<vmem>>, vector<16xf32>,
        %get3A_138 = arith.index_cast %shift_right_logical3A_131 : i32 to index
        %get3A_139 = arith.index_cast %mul3A_134 : i32 to index
        %get3A_140 = tpu.vector_load %arg25[%get3A_138, %get3A_139] {strides = array<i32>} : memref<64x128xf32, #tpu.memory_space<vmem>>, vector<16xf32>,
        %mul3A_141 = arith.constant 0.949999988 : f32
        %mul3A_142 = vector.broadcast %mul3A_141 : f32 to vector<16xf32>
        %mul3A_143 = arith.mulf %mul3A_142, %get3A_137 : vector<16xf32>
        %mul3A_144 = arith.constant 5.000000e-02 : f32
        %mul3A_145 = vector.broadcast %mul3A_144 : f32 to vector<16xf32>
        %mul3A_146 = arith.mulf %mul3A_145, %get3A_140 : vector<16xf32>
        %add3A_147 = arith.addf %mul3A_143, %mul3A_146 : vector<16xf32>
        %swap3A_148 = arith.index_cast %shift_right_logical3A_131 : i32 to index
        %swap3A_149 = arith.index_cast %mul3A_134 : i32 to index
        %swap3A_150 = tpu.vector_load %arg24[%swap3A_148, %swap3A_149] {strides = array<i32>} : memref<64x128xf32, #tpu.memory_space<vmem>>, vector<16xf32>,
        tpu.vector_store %arg24[%swap3A_148, %swap3A_149], %add3A_147 {strides = array<i32>} : memref<64x128xf32, #tpu.memory_space<vmem>>, vector<16xf32>,
        %scan3A_151 = arith.constant 0 : i32
        %scan3A_152 = arith.constant 1 : i32
        %scan3A_153 = arith.addi %scan3A_129, %scan3A_152 : i32
        %shift_right_logical3A_154 = arith.constant 3 : i32
        %shift_right_logical3A_155 = arith.shrui %scan3A_153, %shift_right_logical3A_154 : i32
        %and3A_156 = arith.constant 7 : i32
        %and3A_157 = arith.andi %scan3A_153, %and3A_156 : i32
        %mul3A_158 = arith.constant 16 : i32
        %mul3A_159 = arith.muli %and3A_157, %mul3A_158 : i32
        %get3A_160 = arith.index_cast %shift_right_logical3A_155 : i32 to index
        %get3A_161 = arith.index_cast %mul3A_159 : i32 to index
        %get3A_162 = tpu.vector_load %arg24[%get3A_160, %get3A_161] {strides = array<i32>} : memref<64x128xf32, #tpu.memory_space<vmem>>, vector<16xf32>,
        %get3A_163 = arith.index_cast %shift_right_logical3A_155 : i32 to index
        %get3A_164 = arith.index_cast %mul3A_159 : i32 to index
        %get3A_165 = tpu.vector_load %arg25[%get3A_163, %get3A_164] {strides = array<i32>} : memref<64x128xf32, #tpu.memory_space<vmem>>, vector<16xf32>,
        %mul3A_166 = arith.constant 0.949999988 : f32
        %mul3A_167 = vector.broadcast %mul3A_166 : f32 to vector<16xf32>
        %mul3A_168 = arith.mulf %mul3A_167, %get3A_162 : vector<16xf32>
        %mul3A_169 = arith.constant 5.000000e-02 : f32
        %mul3A_170 = vector.broadcast %mul3A_169 : f32 to vector<16xf32>
        %mul3A_171 = arith.mulf %mul3A_170, %get3A_165 : vector<16xf32>
        %add3A_172 = arith.addf %mul3A_168, %mul3A_171 : vector<16xf32>
        %swap3A_173 = arith.index_cast %shift_right_logical3A_155 : i32 to index
        %swap3A_174 = arith.index_cast %mul3A_159 : i32 to index
        %swap3A_175 = tpu.vector_load %arg24[%swap3A_173, %swap3A_174] {strides = array<i32>} : memref<64x128xf32, #tpu.memory_space<vmem>>, vector<16xf32>,
        tpu.vector_store %arg24[%swap3A_173, %swap3A_174], %add3A_172 {strides = array<i32>} : memref<64x128xf32, #tpu.memory_space<vmem>>, vector<16xf32>,
        %scan3A_176 = arith.constant 0 : i32
        %scan3A_177 = arith.constant 2 : i32
        %scan3A_178 = arith.addi %scan3A_129, %scan3A_177 : i32
        %shift_right_logical3A_179 = arith.constant 3 : i32
        %shift_right_logical3A_180 = arith.shrui %scan3A_178, %shift_right_logical3A_179 : i32
        %and3A_181 = arith.constant 7 : i32
        %and3A_182 = arith.andi %scan3A_178, %and3A_181 : i32
        %mul3A_183 = arith.constant 16 : i32
        %mul3A_184 = arith.muli %and3A_182, %mul3A_183 : i32
        %get3A_185 = arith.index_cast %shift_right_logical3A_180 : i32 to index
        %get3A_186 = arith.index_cast %mul3A_184 : i32 to index
        %get3A_187 = tpu.vector_load %arg24[%get3A_185, %get3A_186] {strides = array<i32>} : memref<64x128xf32, #tpu.memory_space<vmem>>, vector<16xf32>,
        %get3A_188 = arith.index_cast %shift_right_logical3A_180 : i32 to index
        %get3A_189 = arith.index_cast %mul3A_184 : i32 to index
        %get3A_190 = tpu.vector_load %arg25[%get3A_188, %get3A_189] {strides = array<i32>} : memref<64x128xf32, #tpu.memory_space<vmem>>, vector<16xf32>,
        %mul3A_191 = arith.constant 0.949999988 : f32
        %mul3A_192 = vector.broadcast %mul3A_191 : f32 to vector<16xf32>
        %mul3A_193 = arith.mulf %mul3A_192, %get3A_187 : vector<16xf32>
        %mul3A_194 = arith.constant 5.000000e-02 : f32
        %mul3A_195 = vector.broadcast %mul3A_194 : f32 to vector<16xf32>
        %mul3A_196 = arith.mulf %mul3A_195, %get3A_190 : vector<16xf32>
        %add3A_197 = arith.addf %mul3A_193, %mul3A_196 : vector<16xf32>
        %swap3A_198 = arith.index_cast %shift_right_logical3A_180 : i32 to index
        %swap3A_199 = arith.index_cast %mul3A_184 : i32 to index
        %swap3A_200 = tpu.vector_load %arg24[%swap3A_198, %swap3A_199] {strides = array<i32>} : memref<64x128xf32, #tpu.memory_space<vmem>>, vector<16xf32>,
        tpu.vector_store %arg24[%swap3A_198, %swap3A_199], %add3A_197 {strides = array<i32>} : memref<64x128xf32, #tpu.memory_space<vmem>>, vector<16xf32>,
        %scan3A_201 = arith.constant 0 : i32
        %scan3A_202 = arith.constant 3 : i32
        %scan3A_203 = arith.addi %scan3A_129, %scan3A_202 : i32
        %shift_right_logical3A_204 = arith.constant 3 : i32
        %shift_right_logical3A_205 = arith.shrui %scan3A_203, %shift_right_logical3A_204 : i32
        %and3A_206 = arith.constant 7 : i32
        %and3A_207 = arith.andi %scan3A_203, %and3A_206 : i32
        %mul3A_208 = arith.constant 16 : i32
        %mul3A_209 = arith.muli %and3A_207, %mul3A_208 : i32
        %get3A_210 = arith.index_cast %shift_right_logical3A_205 : i32 to index
        %get3A_211 = arith.index_cast %mul3A_209 : i32 to index
        %get3A_212 = tpu.vector_load %arg24[%get3A_210, %get3A_211] {strides = array<i32>} : memref<64x128xf32, #tpu.memory_space<vmem>>, vector<16xf32>,
        %get3A_213 = arith.index_cast %shift_right_logical3A_205 : i32 to index
        %get3A_214 = arith.index_cast %mul3A_209 : i32 to index
        %get3A_215 = tpu.vector_load %arg25[%get3A_213, %get3A_214] {strides = array<i32>} : memref<64x128xf32, #tpu.memory_space<vmem>>, vector<16xf32>,
        %mul3A_216 = arith.constant 0.949999988 : f32
        %mul3A_217 = vector.broadcast %mul3A_216 : f32 to vector<16xf32>
        %mul3A_218 = arith.mulf %mul3A_217, %get3A_212 : vector<16xf32>
        %mul3A_219 = arith.constant 5.000000e-02 : f32
        %mul3A_220 = vector.broadcast %mul3A_219 : f32 to vector<16xf32>
        %mul3A_221 = arith.mulf %mul3A_220, %get3A_215 : vector<16xf32>
        %add3A_222 = arith.addf %mul3A_218, %mul3A_221 : vector<16xf32>
        %swap3A_223 = arith.index_cast %shift_right_logical3A_205 : i32 to index
        %swap3A_224 = arith.index_cast %mul3A_209 : i32 to index
        %swap3A_225 = tpu.vector_load %arg24[%swap3A_223, %swap3A_224] {strides = array<i32>} : memref<64x128xf32, #tpu.memory_space<vmem>>, vector<16xf32>,
        tpu.vector_store %arg24[%swap3A_223, %swap3A_224], %add3A_222 {strides = array<i32>} : memref<64x128xf32, #tpu.memory_space<vmem>>, vector<16xf32>,
        %scan3A_226 = arith.constant 0 : i32
        %scan3A_227 = arith.constant 4 : i32
        %scan3A_228 = arith.addi %scan3A_129, %scan3A_227 : i32
        %shift_right_logical3A_229 = arith.constant 3 : i32
        %shift_right_logical3A_230 = arith.shrui %scan3A_228, %shift_right_logical3A_229 : i32
        %and3A_231 = arith.constant 7 : i32
        %and3A_232 = arith.andi %scan3A_228, %and3A_231 : i32
        %mul3A_233 = arith.constant 16 : i32
        %mul3A_234 = arith.muli %and3A_232, %mul3A_233 : i32
        %get3A_235 = arith.index_cast %shift_right_logical3A_230 : i32 to index
        %get3A_236 = arith.index_cast %mul3A_234 : i32 to index
        %get3A_237 = tpu.vector_load %arg24[%get3A_235, %get3A_236] {strides = array<i32>} : memref<64x128xf32, #tpu.memory_space<vmem>>, vector<16xf32>,
        %get3A_238 = arith.index_cast %shift_right_logical3A_230 : i32 to index
        %get3A_239 = arith.index_cast %mul3A_234 : i32 to index
        %get3A_240 = tpu.vector_load %arg25[%get3A_238, %get3A_239] {strides = array<i32>} : memref<64x128xf32, #tpu.memory_space<vmem>>, vector<16xf32>,
        %mul3A_241 = arith.constant 0.949999988 : f32
        %mul3A_242 = vector.broadcast %mul3A_241 : f32 to vector<16xf32>
        %mul3A_243 = arith.mulf %mul3A_242, %get3A_237 : vector<16xf32>
        %mul3A_244 = arith.constant 5.000000e-02 : f32
        %mul3A_245 = vector.broadcast %mul3A_244 : f32 to vector<16xf32>
        %mul3A_246 = arith.mulf %mul3A_245, %get3A_240 : vector<16xf32>
        %add3A_247 = arith.addf %mul3A_243, %mul3A_246 : vector<16xf32>
        %swap3A_248 = arith.index_cast %shift_right_logical3A_230 : i32 to index
        %swap3A_249 = arith.index_cast %mul3A_234 : i32 to index
        %swap3A_250 = tpu.vector_load %arg24[%swap3A_248, %swap3A_249] {strides = array<i32>} : memref<64x128xf32, #tpu.memory_space<vmem>>, vector<16xf32>,
        tpu.vector_store %arg24[%swap3A_248, %swap3A_249], %add3A_247 {strides = array<i32>} : memref<64x128xf32, #tpu.memory_space<vmem>>, vector<16xf32>,
        %scan3A_251 = arith.constant 0 : i32
        %scan3A_252 = arith.constant 5 : i32
        %scan3A_253 = arith.addi %scan3A_129, %scan3A_252 : i32
        %shift_right_logical3A_254 = arith.constant 3 : i32
        %shift_right_logical3A_255 = arith.shrui %scan3A_253, %shift_right_logical3A_254 : i32
        %and3A_256 = arith.constant 7 : i32
        %and3A_257 = arith.andi %scan3A_253, %and3A_256 : i32
        %mul3A_258 = arith.constant 16 : i32
        %mul3A_259 = arith.muli %and3A_257, %mul3A_258 : i32
        %get3A_260 = arith.index_cast %shift_right_logical3A_255 : i32 to index
        %get3A_261 = arith.index_cast %mul3A_259 : i32 to index
        %get3A_262 = tpu.vector_load %arg24[%get3A_260, %get3A_261] {strides = array<i32>} : memref<64x128xf32, #tpu.memory_space<vmem>>, vector<16xf32>,
        %get3A_263 = arith.index_cast %shift_right_logical3A_255 : i32 to index
        %get3A_264 = arith.index_cast %mul3A_259 : i32 to index
        %get3A_265 = tpu.vector_load %arg25[%get3A_263, %get3A_264] {strides = array<i32>} : memref<64x128xf32, #tpu.memory_space<vmem>>, vector<16xf32>,
        %mul3A_266 = arith.constant 0.949999988 : f32
        %mul3A_267 = vector.broadcast %mul3A_266 : f32 to vector<16xf32>
        %mul3A_268 = arith.mulf %mul3A_267, %get3A_262 : vector<16xf32>
        %mul3A_269 = arith.constant 5.000000e-02 : f32
        %mul3A_270 = vector.broadcast %mul3A_269 : f32 to vector<16xf32>
        %mul3A_271 = arith.mulf %mul3A_270, %get3A_265 : vector<16xf32>
        %add3A_272 = arith.addf %mul3A_268, %mul3A_271 : vector<16xf32>
        %swap3A_273 = arith.index_cast %shift_right_logical3A_255 : i32 to index
        %swap3A_274 = arith.index_cast %mul3A_259 : i32 to index
        %swap3A_275 = tpu.vector_load %arg24[%swap3A_273, %swap3A_274] {strides = array<i32>} : memref<64x128xf32, #tpu.memory_space<vmem>>, vector<16xf32>,
        tpu.vector_store %arg24[%swap3A_273, %swap3A_274], %add3A_272 {strides = array<i32>} : memref<64x128xf32, #tpu.memory_space<vmem>>, vector<16xf32>,
        %scan3A_276 = arith.constant 0 : i32
        %scan3A_277 = arith.constant 6 : i32
        %scan3A_278 = arith.addi %scan3A_129, %scan3A_277 : i32
        %shift_right_logical3A_279 = arith.constant 3 : i32
        %shift_right_logical3A_280 = arith.shrui %scan3A_278, %shift_right_logical3A_279 : i32
        %and3A_281 = arith.constant 7 : i32
        %and3A_282 = arith.andi %scan3A_278, %and3A_281 : i32
        %mul3A_283 = arith.constant 16 : i32
        %mul3A_284 = arith.muli %and3A_282, %mul3A_283 : i32
        %get3A_285 = arith.index_cast %shift_right_logical3A_280 : i32 to index
        %get3A_286 = arith.index_cast %mul3A_284 : i32 to index
        %get3A_287 = tpu.vector_load %arg24[%get3A_285, %get3A_286] {strides = array<i32>} : memref<64x128xf32, #tpu.memory_space<vmem>>, vector<16xf32>,
        %get3A_288 = arith.index_cast %shift_right_logical3A_280 : i32 to index
        %get3A_289 = arith.index_cast %mul3A_284 : i32 to index
        %get3A_290 = tpu.vector_load %arg25[%get3A_288, %get3A_289] {strides = array<i32>} : memref<64x128xf32, #tpu.memory_space<vmem>>, vector<16xf32>,
        %mul3A_291 = arith.constant 0.949999988 : f32
        %mul3A_292 = vector.broadcast %mul3A_291 : f32 to vector<16xf32>
        %mul3A_293 = arith.mulf %mul3A_292, %get3A_287 : vector<16xf32>
        %mul3A_294 = arith.constant 5.000000e-02 : f32
        %mul3A_295 = vector.broadcast %mul3A_294 : f32 to vector<16xf32>
        %mul3A_296 = arith.mulf %mul3A_295, %get3A_290 : vector<16xf32>
        %add3A_297 = arith.addf %mul3A_293, %mul3A_296 : vector<16xf32>
        %swap3A_298 = arith.index_cast %shift_right_logical3A_280 : i32 to index
        %swap3A_299 = arith.index_cast %mul3A_284 : i32 to index
        %swap3A_300 = tpu.vector_load %arg24[%swap3A_298, %swap3A_299] {strides = array<i32>} : memref<64x128xf32, #tpu.memory_space<vmem>>, vector<16xf32>,
        tpu.vector_store %arg24[%swap3A_298, %swap3A_299], %add3A_297 {strides = array<i32>} : memref<64x128xf32, #tpu.memory_space<vmem>>, vector<16xf32>,
        %scan3A_301 = arith.constant 0 : i32
        %scan3A_302 = arith.constant 7 : i32
        %scan3A_303 = arith.addi %scan3A_129, %scan3A_302 : i32
        %shift_right_logical3A_304 = arith.constant 3 : i32
        %shift_right_logical3A_305 = arith.shrui %scan3A_303, %shift_right_logical3A_304 : i32
        %and3A_306 = arith.constant 7 : i32
        %and3A_307 = arith.andi %scan3A_303, %and3A_306 : i32
        %mul3A_308 = arith.constant 16 : i32
        %mul3A_309 = arith.muli %and3A_307, %mul3A_308 : i32
        %get3A_310 = arith.index_cast %shift_right_logical3A_305 : i32 to index
        %get3A_311 = arith.index_cast %mul3A_309 : i32 to index
        %get3A_312 = tpu.vector_load %arg24[%get3A_310, %get3A_311] {strides = array<i32>} : memref<64x128xf32, #tpu.memory_space<vmem>>, vector<16xf32>,
        %get3A_313 = arith.index_cast %shift_right_logical3A_305 : i32 to index
        %get3A_314 = arith.index_cast %mul3A_309 : i32 to index
        %get3A_315 = tpu.vector_load %arg25[%get3A_313, %get3A_314] {strides = array<i32>} : memref<64x128xf32, #tpu.memory_space<vmem>>, vector<16xf32>,
        %mul3A_316 = arith.constant 0.949999988 : f32
        %mul3A_317 = vector.broadcast %mul3A_316 : f32 to vector<16xf32>
        %mul3A_318 = arith.mulf %mul3A_317, %get3A_312 : vector<16xf32>
        %mul3A_319 = arith.constant 5.000000e-02 : f32
        %mul3A_320 = vector.broadcast %mul3A_319 : f32 to vector<16xf32>
        %mul3A_321 = arith.mulf %mul3A_320, %get3A_315 : vector<16xf32>
        %add3A_322 = arith.addf %mul3A_318, %mul3A_321 : vector<16xf32>
        %swap3A_323 = arith.index_cast %shift_right_logical3A_305 : i32 to index
        %swap3A_324 = arith.index_cast %mul3A_309 : i32 to index
        %swap3A_325 = tpu.vector_load %arg24[%swap3A_323, %swap3A_324] {strides = array<i32>} : memref<64x128xf32, #tpu.memory_space<vmem>>, vector<16xf32>,
        tpu.vector_store %arg24[%swap3A_323, %swap3A_324], %add3A_322 {strides = array<i32>} : memref<64x128xf32, #tpu.memory_space<vmem>>, vector<16xf32>,
        %scan3A_326 = arith.constant 0 : i32
        scf.yield %scan3A_326 : i32
      }
      %scan3A_121 = arith.constant 512 : i32
      %dma_start3A_122 = arith.constant 0 : i32
      %dma_start3A_123 = arith.constant 0 : i32
      %dma_start3A_124 = tpu.memref_slice %arg6[%dma_start3A_122, %dma_start3A_123] : memref<262144x128xf32, #tpu.memory_space<hbm>> -> memref<262144x128xf32, #tpu.memory_space<hbm>>
      tpu.enqueue_indirect_dma source(%arg24 : memref<64x128xf32, #tpu.memory_space<vmem>>) target(%dma_start3A_124 : memref<262144x128xf32, #tpu.memory_space<hbm>>) offsets(%arg22 : memref<64xi32, #tpu.memory_space<vmem>>) semaphore(%arg26 : memref<!tpu.dma_semaphore, #tpu.memory_space<semaphore_mem>>)
      %dma_wait3A_125 = arith.constant 0 : i32
      %dma_wait3A_126 = arith.constant 0 : i32
      %dma_wait3A_127 = tpu.memref_slice %arg6[%dma_wait3A_125, %dma_wait3A_126] : memref<262144x128xf32, #tpu.memory_space<hbm>> -> memref<262144x128xf32, #tpu.memory_space<hbm>>
      tpu.wait_indirect_dma semaphore(%arg26 : memref<!tpu.dma_semaphore, #tpu.memory_space<semaphore_mem>>) src(%arg24 : memref<64x128xf32, #tpu.memory_space<vmem>>) dst(%dma_wait3A_127 : memref<262144x128xf32, #tpu.memory_space<hbm>>)
      %while3A_128 = arith.constant 0 : i32
      scf.yield %while3A_128 : i32
    }
    %while3A_52 = arith.constant 1 : i32
    %while3A_53 = scf.for %while3A_54 = %while3A_49 to %while3A_45 step %while3A_52 iter_args(%while3A_55 = %while3A_51) -> (i32)  : i32 {
      %mul3A_56 = arith.constant 64 : i32
      %mul3A_57 = arith.muli %while3A_54, %mul3A_56 : i32
      %add3A_58 = arith.constant 0 : i32
      %add3A_59 = arith.addi %mul3A_57, %add3A_58 : i32
      %get3A = arith.index_cast %add3A_59 : i32 to index
      %get3A_60 = tpu.vector_load %arg19[%get3A] {strides = array<i32>} : memref<8256xi32, #tpu.memory_space<vmem>>, vector<16xi32>,
      %swap3A = arith.constant 0 : index
      %swap3A_61 = tpu.vector_load %arg22[%swap3A] {strides = array<i32>} : memref<64xi32, #tpu.memory_space<vmem>>, vector<16xi32>,
      tpu.vector_store %arg22[%swap3A], %get3A_60 {strides = array<i32>} : memref<64xi32, #tpu.memory_space<vmem>>, vector<16xi32>,
      %add3A_62 = arith.constant 0 : i32
      %add3A_63 = arith.addi %mul3A_57, %add3A_62 : i32
      %get3A_64 = arith.index_cast %add3A_63 : i32 to index
      %get3A_65 = tpu.vector_load %arg20[%get3A_64] {strides = array<i32>} : memref<8256xi32, #tpu.memory_space<vmem>>, vector<16xi32>,
      %swap3A_66 = arith.constant 0 : index
      %swap3A_67 = tpu.vector_load %arg23[%swap3A_66] {strides = array<i32>} : memref<64xi32, #tpu.memory_space<vmem>>, vector<16xi32>,
      tpu.vector_store %arg23[%swap3A_66], %get3A_65 {strides = array<i32>} : memref<64xi32, #tpu.memory_space<vmem>>, vector<16xi32>,
      %add3A_68 = arith.constant 16 : i32
      %add3A_69 = arith.addi %mul3A_57, %add3A_68 : i32
      %get3A_70 = arith.index_cast %add3A_69 : i32 to index
      %get3A_71 = tpu.vector_load %arg19[%get3A_70] {strides = array<i32>} : memref<8256xi32, #tpu.memory_space<vmem>>, vector<16xi32>,
      %swap3A_72 = arith.constant 16 : index
      %swap3A_73 = tpu.vector_load %arg22[%swap3A_72] {strides = array<i32>} : memref<64xi32, #tpu.memory_space<vmem>>, vector<16xi32>,
      tpu.vector_store %arg22[%swap3A_72], %get3A_71 {strides = array<i32>} : memref<64xi32, #tpu.memory_space<vmem>>, vector<16xi32>,
      %add3A_74 = arith.constant 16 : i32
      %add3A_75 = arith.addi %mul3A_57, %add3A_74 : i32
      %get3A_76 = arith.index_cast %add3A_75 : i32 to index
      %get3A_77 = tpu.vector_load %arg20[%get3A_76] {strides = array<i32>} : memref<8256xi32, #tpu.memory_space<vmem>>, vector<16xi32>,
      %swap3A_78 = arith.constant 16 : index
      %swap3A_79 = tpu.vector_load %arg23[%swap3A_78] {strides = array<i32>} : memref<64xi32, #tpu.memory_space<vmem>>, vector<16xi32>,
      tpu.vector_store %arg23[%swap3A_78], %get3A_77 {strides = array<i32>} : memref<64xi32, #tpu.memory_space<vmem>>, vector<16xi32>,
      %add3A_80 = arith.constant 32 : i32
      %add3A_81 = arith.addi %mul3A_57, %add3A_80 : i32
      %get3A_82 = arith.index_cast %add3A_81 : i32 to index
      %get3A_83 = tpu.vector_load %arg19[%get3A_82] {strides = array<i32>} : memref<8256xi32, #tpu.memory_space<vmem>>, vector<16xi32>,
      %swap3A_84 = arith.constant 32 : index
      %swap3A_85 = tpu.vector_load %arg22[%swap3A_84] {strides = array<i32>} : memref<64xi32, #tpu.memory_space<vmem>>, vector<16xi32>,
      tpu.vector_store %arg22[%swap3A_84], %get3A_83 {strides = array<i32>} : memref<64xi32, #tpu.memory_space<vmem>>, vector<16xi32>,
      %add3A_86 = arith.constant 32 : i32
      %add3A_87 = arith.addi %mul3A_57, %add3A_86 : i32
      %get3A_88 = arith.index_cast %add3A_87 : i32 to index
      %get3A_89 = tpu.vector_load %arg20[%get3A_88] {strides = array<i32>} : memref<8256xi32, #tpu.memory_space<vmem>>, vector<16xi32>,
      %swap3A_90 = arith.constant 32 : index
      %swap3A_91 = tpu.vector_load %arg23[%swap3A_90] {strides = array<i32>} : memref<64xi32, #tpu.memory_space<vmem>>, vector<16xi32>,
      tpu.vector_store %arg23[%swap3A_90], %get3A_89 {strides = array<i32>} : memref<64xi32, #tpu.memory_space<vmem>>, vector<16xi32>,
      %add3A_92 = arith.constant 48 : i32
      %add3A_93 = arith.addi %mul3A_57, %add3A_92 : i32
      %get3A_94 = arith.index_cast %add3A_93 : i32 to index
      %get3A_95 = tpu.vector_load %arg19[%get3A_94] {strides = array<i32>} : memref<8256xi32, #tpu.memory_space<vmem>>, vector<16xi32>,
      %swap3A_96 = arith.constant 48 : index
      %swap3A_97 = tpu.vector_load %arg22[%swap3A_96] {strides = array<i32>} : memref<64xi32, #tpu.memory_space<vmem>>, vector<16xi32>,
      tpu.vector_store %arg22[%swap3A_96], %get3A_95 {strides = array<i32>} : memref<64xi32, #tpu.memory_space<vmem>>, vector<16xi32>,
      %add3A_98 = arith.constant 48 : i32
      %add3A_99 = arith.addi %mul3A_57, %add3A_98 : i32
      %get3A_100 = arith.index_cast %add3A_99 : i32 to index
      %get3A_101 = tpu.vector_load %arg20[%get3A_100] {strides = array<i32>} : memref<8256xi32, #tpu.memory_space<vmem>>, vector<16xi32>,
      %swap3A_102 = arith.constant 48 : index
      %swap3A_103 = tpu.vector_load %arg23[%swap3A_102] {strides = array<i32>} : memref<64xi32, #tpu.memory_space<vmem>>, vector<16xi32>,
      tpu.vector_store %arg23[%swap3A_102], %get3A_101 {strides = array<i32>} : memref<64xi32, #tpu.memory_space<vmem>>, vector<16xi32>,
      %dma_start3A_104 = arith.constant 0 : i32
      %dma_start3A_105 = arith.constant 0 : i32
      %dma_start3A_106 = tpu.memref_slice %arg6[%dma_start3A_104, %dma_start3A_105] : memref<262144x128xf32, #tpu.memory_space<hbm>> -> memref<262144x128xf32, #tpu.memory_space<hbm>>
      tpu.enqueue_indirect_dma source(%dma_start3A_106 : memref<262144x128xf32, #tpu.memory_space<hbm>>) target(%arg24 : memref<64x128xf32, #tpu.memory_space<vmem>>) offsets(%arg22 : memref<64xi32, #tpu.memory_space<vmem>>) semaphore(%arg26 : memref<!tpu.dma_semaphore, #tpu.memory_space<semaphore_mem>>)
      %dma_start3A_107 = arith.constant 0 : i32
      %dma_start3A_108 = arith.constant 0 : i32
      %dma_start3A_109 = tpu.memref_slice %arg5[%dma_start3A_107, %dma_start3A_108] : memref<131072x128xf32, #tpu.memory_space<hbm>> -> memref<131072x128xf32, #tpu.memory_space<hbm>>
      tpu.enqueue_indirect_dma source(%dma_start3A_109 : memref<131072x128xf32, #tpu.memory_space<hbm>>) target(%arg25 : memref<64x128xf32, #tpu.memory_space<vmem>>) offsets(%arg23 : memref<64xi32, #tpu.memory_space<vmem>>) semaphore(%arg27 : memref<!tpu.dma_semaphore, #tpu.memory_space<semaphore_mem>>)
      %dma_wait3A = arith.constant 0 : i32
      %dma_wait3A_110 = arith.constant 0 : i32
      %dma_wait3A_111 = tpu.memref_slice %arg6[%dma_wait3A, %dma_wait3A_110] : memref<262144x128xf32, #tpu.memory_space<hbm>> -> memref<262144x128xf32, #tpu.memory_space<hbm>>
      tpu.wait_indirect_dma semaphore(%arg26 : memref<!tpu.dma_semaphore, #tpu.memory_space<semaphore_mem>>) src(%dma_wait3A_111 : memref<262144x128xf32, #tpu.memory_space<hbm>>) dst(%arg24 : memref<64x128xf32, #tpu.memory_space<vmem>>)
      %dma_wait3A_112 = arith.constant 0 : i32
      %dma_wait3A_113 = arith.constant 0 : i32
      %dma_wait3A_114 = tpu.memref_slice %arg5[%dma_wait3A_112, %dma_wait3A_113] : memref<131072x128xf32, #tpu.memory_space<hbm>> -> memref<131072x128xf32, #tpu.memory_space<hbm>>
      tpu.wait_indirect_dma semaphore(%arg27 : memref<!tpu.dma_semaphore, #tpu.memory_space<semaphore_mem>>) src(%dma_wait3A_114 : memref<131072x128xf32, #tpu.memory_space<hbm>>) dst(%arg25 : memref<64x128xf32, #tpu.memory_space<vmem>>)
      %scan3A_115 = arith.constant 0 : i32
      %scan3A_116 = arith.constant 0 : i32
      %scan3A_117 = arith.constant 512 : i32
      %scan3A_118 = arith.addi %scan3A_116, %scan3A_117 : i32
      %scan3A_119 = arith.constant 8 : i32
      %scan3A_120 = scf.for %scan3A_129 = %scan3A_116 to %scan3A_118 step %scan3A_119 iter_args(%scan3A_130 = %scan3A_115) -> (i32)  : i32 {
        %shift_right_logical3A = arith.constant 3 : i32
        %shift_right_logical3A_131 = arith.shrui %scan3A_129, %shift_right_logical3A : i32
        %and3A = arith.constant 7 : i32
        %and3A_132 = arith.andi %scan3A_129, %and3A : i32
        %mul3A_133 = arith.constant 16 : i32
        %mul3A_134 = arith.muli %and3A_132, %mul3A_133 : i32
        %get3A_135 = arith.index_cast %shift_right_logical3A_131 : i32 to index
        %get3A_136 = arith.index_cast %mul3A_134 : i32 to index
        %get3A_137 = tpu.vector_load %arg24[%get3A_135, %get3A_136] {strides = array<i32>} : memref<64x128xf32, #tpu.memory_space<vmem>>, vector<16xf32>,
        %get3A_138 = arith.index_cast %shift_right_logical3A_131 : i32 to index
        %get3A_139 = arith.index_cast %mul3A_134 : i32 to index
        %get3A_140 = tpu.vector_load %arg25[%get3A_138, %get3A_139] {strides = array<i32>} : memref<64x128xf32, #tpu.memory_space<vmem>>, vector<16xf32>,
        %mul3A_141 = arith.constant 0.949999988 : f32
        %mul3A_142 = vector.broadcast %mul3A_141 : f32 to vector<16xf32>
        %mul3A_143 = arith.mulf %mul3A_142, %get3A_137 : vector<16xf32>
        %mul3A_144 = arith.constant 5.000000e-02 : f32
        %mul3A_145 = vector.broadcast %mul3A_144 : f32 to vector<16xf32>
        %mul3A_146 = arith.mulf %mul3A_145, %get3A_140 : vector<16xf32>
        %add3A_147 = arith.addf %mul3A_143, %mul3A_146 : vector<16xf32>
        %swap3A_148 = arith.index_cast %shift_right_logical3A_131 : i32 to index
        %swap3A_149 = arith.index_cast %mul3A_134 : i32 to index
        %swap3A_150 = tpu.vector_load %arg24[%swap3A_148, %swap3A_149] {strides = array<i32>} : memref<64x128xf32, #tpu.memory_space<vmem>>, vector<16xf32>,
        tpu.vector_store %arg24[%swap3A_148, %swap3A_149], %add3A_147 {strides = array<i32>} : memref<64x128xf32, #tpu.memory_space<vmem>>, vector<16xf32>,
        %scan3A_151 = arith.constant 0 : i32
        %scan3A_152 = arith.constant 1 : i32
        %scan3A_153 = arith.addi %scan3A_129, %scan3A_152 : i32
        %shift_right_logical3A_154 = arith.constant 3 : i32
        %shift_right_logical3A_155 = arith.shrui %scan3A_153, %shift_right_logical3A_154 : i32
        %and3A_156 = arith.constant 7 : i32
        %and3A_157 = arith.andi %scan3A_153, %and3A_156 : i32
        %mul3A_158 = arith.constant 16 : i32
        %mul3A_159 = arith.muli %and3A_157, %mul3A_158 : i32
        %get3A_160 = arith.index_cast %shift_right_logical3A_155 : i32 to index
        %get3A_161 = arith.index_cast %mul3A_159 : i32 to index
        %get3A_162 = tpu.vector_load %arg24[%get3A_160, %get3A_161] {strides = array<i32>} : memref<64x128xf32, #tpu.memory_space<vmem>>, vector<16xf32>,
        %get3A_163 = arith.index_cast %shift_right_logical3A_155 : i32 to index
        %get3A_164 = arith.index_cast %mul3A_159 : i32 to index
        %get3A_165 = tpu.vector_load %arg25[%get3A_163, %get3A_164] {strides = array<i32>} : memref<64x128xf32, #tpu.memory_space<vmem>>, vector<16xf32>,
        %mul3A_166 = arith.constant 0.949999988 : f32
        %mul3A_167 = vector.broadcast %mul3A_166 : f32 to vector<16xf32>
        %mul3A_168 = arith.mulf %mul3A_167, %get3A_162 : vector<16xf32>
        %mul3A_169 = arith.constant 5.000000e-02 : f32
        %mul3A_170 = vector.broadcast %mul3A_169 : f32 to vector<16xf32>
        %mul3A_171 = arith.mulf %mul3A_170, %get3A_165 : vector<16xf32>
        %add3A_172 = arith.addf %mul3A_168, %mul3A_171 : vector<16xf32>
        %swap3A_173 = arith.index_cast %shift_right_logical3A_155 : i32 to index
        %swap3A_174 = arith.index_cast %mul3A_159 : i32 to index
        %swap3A_175 = tpu.vector_load %arg24[%swap3A_173, %swap3A_174] {strides = array<i32>} : memref<64x128xf32, #tpu.memory_space<vmem>>, vector<16xf32>,
        tpu.vector_store %arg24[%swap3A_173, %swap3A_174], %add3A_172 {strides = array<i32>} : memref<64x128xf32, #tpu.memory_space<vmem>>, vector<16xf32>,
        %scan3A_176 = arith.constant 0 : i32
        %scan3A_177 = arith.constant 2 : i32
        %scan3A_178 = arith.addi %scan3A_129, %scan3A_177 : i32
        %shift_right_logical3A_179 = arith.constant 3 : i32
        %shift_right_logical3A_180 = arith.shrui %scan3A_178, %shift_right_logical3A_179 : i32
        %and3A_181 = arith.constant 7 : i32
        %and3A_182 = arith.andi %scan3A_178, %and3A_181 : i32
        %mul3A_183 = arith.constant 16 : i32
        %mul3A_184 = arith.muli %and3A_182, %mul3A_183 : i32
        %get3A_185 = arith.index_cast %shift_right_logical3A_180 : i32 to index
        %get3A_186 = arith.index_cast %mul3A_184 : i32 to index
        %get3A_187 = tpu.vector_load %arg24[%get3A_185, %get3A_186] {strides = array<i32>} : memref<64x128xf32, #tpu.memory_space<vmem>>, vector<16xf32>,
        %get3A_188 = arith.index_cast %shift_right_logical3A_180 : i32 to index
        %get3A_189 = arith.index_cast %mul3A_184 : i32 to index
        %get3A_190 = tpu.vector_load %arg25[%get3A_188, %get3A_189] {strides = array<i32>} : memref<64x128xf32, #tpu.memory_space<vmem>>, vector<16xf32>,
        %mul3A_191 = arith.constant 0.949999988 : f32
        %mul3A_192 = vector.broadcast %mul3A_191 : f32 to vector<16xf32>
        %mul3A_193 = arith.mulf %mul3A_192, %get3A_187 : vector<16xf32>
        %mul3A_194 = arith.constant 5.000000e-02 : f32
        %mul3A_195 = vector.broadcast %mul3A_194 : f32 to vector<16xf32>
        %mul3A_196 = arith.mulf %mul3A_195, %get3A_190 : vector<16xf32>
        %add3A_197 = arith.addf %mul3A_193, %mul3A_196 : vector<16xf32>
        %swap3A_198 = arith.index_cast %shift_right_logical3A_180 : i32 to index
        %swap3A_199 = arith.index_cast %mul3A_184 : i32 to index
        %swap3A_200 = tpu.vector_load %arg24[%swap3A_198, %swap3A_199] {strides = array<i32>} : memref<64x128xf32, #tpu.memory_space<vmem>>, vector<16xf32>,
        tpu.vector_store %arg24[%swap3A_198, %swap3A_199], %add3A_197 {strides = array<i32>} : memref<64x128xf32, #tpu.memory_space<vmem>>, vector<16xf32>,
        %scan3A_201 = arith.constant 0 : i32
        %scan3A_202 = arith.constant 3 : i32
        %scan3A_203 = arith.addi %scan3A_129, %scan3A_202 : i32
        %shift_right_logical3A_204 = arith.constant 3 : i32
        %shift_right_logical3A_205 = arith.shrui %scan3A_203, %shift_right_logical3A_204 : i32
        %and3A_206 = arith.constant 7 : i32
        %and3A_207 = arith.andi %scan3A_203, %and3A_206 : i32
        %mul3A_208 = arith.constant 16 : i32
        %mul3A_209 = arith.muli %and3A_207, %mul3A_208 : i32
        %get3A_210 = arith.index_cast %shift_right_logical3A_205 : i32 to index
        %get3A_211 = arith.index_cast %mul3A_209 : i32 to index
        %get3A_212 = tpu.vector_load %arg24[%get3A_210, %get3A_211] {strides = array<i32>} : memref<64x128xf32, #tpu.memory_space<vmem>>, vector<16xf32>,
        %get3A_213 = arith.index_cast %shift_right_logical3A_205 : i32 to index
        %get3A_214 = arith.index_cast %mul3A_209 : i32 to index
        %get3A_215 = tpu.vector_load %arg25[%get3A_213, %get3A_214] {strides = array<i32>} : memref<64x128xf32, #tpu.memory_space<vmem>>, vector<16xf32>,
        %mul3A_216 = arith.constant 0.949999988 : f32
        %mul3A_217 = vector.broadcast %mul3A_216 : f32 to vector<16xf32>
        %mul3A_218 = arith.mulf %mul3A_217, %get3A_212 : vector<16xf32>
        %mul3A_219 = arith.constant 5.000000e-02 : f32
        %mul3A_220 = vector.broadcast %mul3A_219 : f32 to vector<16xf32>
        %mul3A_221 = arith.mulf %mul3A_220, %get3A_215 : vector<16xf32>
        %add3A_222 = arith.addf %mul3A_218, %mul3A_221 : vector<16xf32>
        %swap3A_223 = arith.index_cast %shift_right_logical3A_205 : i32 to index
        %swap3A_224 = arith.index_cast %mul3A_209 : i32 to index
        %swap3A_225 = tpu.vector_load %arg24[%swap3A_223, %swap3A_224] {strides = array<i32>} : memref<64x128xf32, #tpu.memory_space<vmem>>, vector<16xf32>,
        tpu.vector_store %arg24[%swap3A_223, %swap3A_224], %add3A_222 {strides = array<i32>} : memref<64x128xf32, #tpu.memory_space<vmem>>, vector<16xf32>,
        %scan3A_226 = arith.constant 0 : i32
        %scan3A_227 = arith.constant 4 : i32
        %scan3A_228 = arith.addi %scan3A_129, %scan3A_227 : i32
        %shift_right_logical3A_229 = arith.constant 3 : i32
        %shift_right_logical3A_230 = arith.shrui %scan3A_228, %shift_right_logical3A_229 : i32
        %and3A_231 = arith.constant 7 : i32
        %and3A_232 = arith.andi %scan3A_228, %and3A_231 : i32
        %mul3A_233 = arith.constant 16 : i32
        %mul3A_234 = arith.muli %and3A_232, %mul3A_233 : i32
        %get3A_235 = arith.index_cast %shift_right_logical3A_230 : i32 to index
        %get3A_236 = arith.index_cast %mul3A_234 : i32 to index
        %get3A_237 = tpu.vector_load %arg24[%get3A_235, %get3A_236] {strides = array<i32>} : memref<64x128xf32, #tpu.memory_space<vmem>>, vector<16xf32>,
        %get3A_238 = arith.index_cast %shift_right_logical3A_230 : i32 to index
        %get3A_239 = arith.index_cast %mul3A_234 : i32 to index
        %get3A_240 = tpu.vector_load %arg25[%get3A_238, %get3A_239] {strides = array<i32>} : memref<64x128xf32, #tpu.memory_space<vmem>>, vector<16xf32>,
        %mul3A_241 = arith.constant 0.949999988 : f32
        %mul3A_242 = vector.broadcast %mul3A_241 : f32 to vector<16xf32>
        %mul3A_243 = arith.mulf %mul3A_242, %get3A_237 : vector<16xf32>
        %mul3A_244 = arith.constant 5.000000e-02 : f32
        %mul3A_245 = vector.broadcast %mul3A_244 : f32 to vector<16xf32>
        %mul3A_246 = arith.mulf %mul3A_245, %get3A_240 : vector<16xf32>
        %add3A_247 = arith.addf %mul3A_243, %mul3A_246 : vector<16xf32>
        %swap3A_248 = arith.index_cast %shift_right_logical3A_230 : i32 to index
        %swap3A_249 = arith.index_cast %mul3A_234 : i32 to index
        %swap3A_250 = tpu.vector_load %arg24[%swap3A_248, %swap3A_249] {strides = array<i32>} : memref<64x128xf32, #tpu.memory_space<vmem>>, vector<16xf32>,
        tpu.vector_store %arg24[%swap3A_248, %swap3A_249], %add3A_247 {strides = array<i32>} : memref<64x128xf32, #tpu.memory_space<vmem>>, vector<16xf32>,
        %scan3A_251 = arith.constant 0 : i32
        %scan3A_252 = arith.constant 5 : i32
        %scan3A_253 = arith.addi %scan3A_129, %scan3A_252 : i32
        %shift_right_logical3A_254 = arith.constant 3 : i32
        %shift_right_logical3A_255 = arith.shrui %scan3A_253, %shift_right_logical3A_254 : i32
        %and3A_256 = arith.constant 7 : i32
        %and3A_257 = arith.andi %scan3A_253, %and3A_256 : i32
        %mul3A_258 = arith.constant 16 : i32
        %mul3A_259 = arith.muli %and3A_257, %mul3A_258 : i32
        %get3A_260 = arith.index_cast %shift_right_logical3A_255 : i32 to index
        %get3A_261 = arith.index_cast %mul3A_259 : i32 to index
        %get3A_262 = tpu.vector_load %arg24[%get3A_260, %get3A_261] {strides = array<i32>} : memref<64x128xf32, #tpu.memory_space<vmem>>, vector<16xf32>,
        %get3A_263 = arith.index_cast %shift_right_logical3A_255 : i32 to index
        %get3A_264 = arith.index_cast %mul3A_259 : i32 to index
        %get3A_265 = tpu.vector_load %arg25[%get3A_263, %get3A_264] {strides = array<i32>} : memref<64x128xf32, #tpu.memory_space<vmem>>, vector<16xf32>,
        %mul3A_266 = arith.constant 0.949999988 : f32
        %mul3A_267 = vector.broadcast %mul3A_266 : f32 to vector<16xf32>
        %mul3A_268 = arith.mulf %mul3A_267, %get3A_262 : vector<16xf32>
        %mul3A_269 = arith.constant 5.000000e-02 : f32
        %mul3A_270 = vector.broadcast %mul3A_269 : f32 to vector<16xf32>
        %mul3A_271 = arith.mulf %mul3A_270, %get3A_265 : vector<16xf32>
        %add3A_272 = arith.addf %mul3A_268, %mul3A_271 : vector<16xf32>
        %swap3A_273 = arith.index_cast %shift_right_logical3A_255 : i32 to index
        %swap3A_274 = arith.index_cast %mul3A_259 : i32 to index
        %swap3A_275 = tpu.vector_load %arg24[%swap3A_273, %swap3A_274] {strides = array<i32>} : memref<64x128xf32, #tpu.memory_space<vmem>>, vector<16xf32>,
        tpu.vector_store %arg24[%swap3A_273, %swap3A_274], %add3A_272 {strides = array<i32>} : memref<64x128xf32, #tpu.memory_space<vmem>>, vector<16xf32>,
        %scan3A_276 = arith.constant 0 : i32
        %scan3A_277 = arith.constant 6 : i32
        %scan3A_278 = arith.addi %scan3A_129, %scan3A_277 : i32
        %shift_right_logical3A_279 = arith.constant 3 : i32
        %shift_right_logical3A_280 = arith.shrui %scan3A_278, %shift_right_logical3A_279 : i32
        %and3A_281 = arith.constant 7 : i32
        %and3A_282 = arith.andi %scan3A_278, %and3A_281 : i32
        %mul3A_283 = arith.constant 16 : i32
        %mul3A_284 = arith.muli %and3A_282, %mul3A_283 : i32
        %get3A_285 = arith.index_cast %shift_right_logical3A_280 : i32 to index
        %get3A_286 = arith.index_cast %mul3A_284 : i32 to index
        %get3A_287 = tpu.vector_load %arg24[%get3A_285, %get3A_286] {strides = array<i32>} : memref<64x128xf32, #tpu.memory_space<vmem>>, vector<16xf32>,
        %get3A_288 = arith.index_cast %shift_right_logical3A_280 : i32 to index
        %get3A_289 = arith.index_cast %mul3A_284 : i32 to index
        %get3A_290 = tpu.vector_load %arg25[%get3A_288, %get3A_289] {strides = array<i32>} : memref<64x128xf32, #tpu.memory_space<vmem>>, vector<16xf32>,
        %mul3A_291 = arith.constant 0.949999988 : f32
        %mul3A_292 = vector.broadcast %mul3A_291 : f32 to vector<16xf32>
        %mul3A_293 = arith.mulf %mul3A_292, %get3A_287 : vector<16xf32>
        %mul3A_294 = arith.constant 5.000000e-02 : f32
        %mul3A_295 = vector.broadcast %mul3A_294 : f32 to vector<16xf32>
        %mul3A_296 = arith.mulf %mul3A_295, %get3A_290 : vector<16xf32>
        %add3A_297 = arith.addf %mul3A_293, %mul3A_296 : vector<16xf32>
        %swap3A_298 = arith.index_cast %shift_right_logical3A_280 : i32 to index
        %swap3A_299 = arith.index_cast %mul3A_284 : i32 to index
        %swap3A_300 = tpu.vector_load %arg24[%swap3A_298, %swap3A_299] {strides = array<i32>} : memref<64x128xf32, #tpu.memory_space<vmem>>, vector<16xf32>,
        tpu.vector_store %arg24[%swap3A_298, %swap3A_299], %add3A_297 {strides = array<i32>} : memref<64x128xf32, #tpu.memory_space<vmem>>, vector<16xf32>,
        %scan3A_301 = arith.constant 0 : i32
        %scan3A_302 = arith.constant 7 : i32
        %scan3A_303 = arith.addi %scan3A_129, %scan3A_302 : i32
        %shift_right_logical3A_304 = arith.constant 3 : i32
        %shift_right_logical3A_305 = arith.shrui %scan3A_303, %shift_right_logical3A_304 : i32
        %and3A_306 = arith.constant 7 : i32
        %and3A_307 = arith.andi %scan3A_303, %and3A_306 : i32
        %mul3A_308 = arith.constant 16 : i32
        %mul3A_309 = arith.muli %and3A_307, %mul3A_308 : i32
        %get3A_310 = arith.index_cast %shift_right_logical3A_305 : i32 to index
        %get3A_311 = arith.index_cast %mul3A_309 : i32 to index
        %get3A_312 = tpu.vector_load %arg24[%get3A_310, %get3A_311] {strides = array<i32>} : memref<64x128xf32, #tpu.memory_space<vmem>>, vector<16xf32>,
        %get3A_313 = arith.index_cast %shift_right_logical3A_305 : i32 to index
        %get3A_314 = arith.index_cast %mul3A_309 : i32 to index
        %get3A_315 = tpu.vector_load %arg25[%get3A_313, %get3A_314] {strides = array<i32>} : memref<64x128xf32, #tpu.memory_space<vmem>>, vector<16xf32>,
        %mul3A_316 = arith.constant 0.949999988 : f32
        %mul3A_317 = vector.broadcast %mul3A_316 : f32 to vector<16xf32>
        %mul3A_318 = arith.mulf %mul3A_317, %get3A_312 : vector<16xf32>
        %mul3A_319 = arith.constant 5.000000e-02 : f32
        %mul3A_320 = vector.broadcast %mul3A_319 : f32 to vector<16xf32>
        %mul3A_321 = arith.mulf %mul3A_320, %get3A_315 : vector<16xf32>
        %add3A_322 = arith.addf %mul3A_318, %mul3A_321 : vector<16xf32>
        %swap3A_323 = arith.index_cast %shift_right_logical3A_305 : i32 to index
        %swap3A_324 = arith.index_cast %mul3A_309 : i32 to index
        %swap3A_325 = tpu.vector_load %arg24[%swap3A_323, %swap3A_324] {strides = array<i32>} : memref<64x128xf32, #tpu.memory_space<vmem>>, vector<16xf32>,
        tpu.vector_store %arg24[%swap3A_323, %swap3A_324], %add3A_322 {strides = array<i32>} : memref<64x128xf32, #tpu.memory_space<vmem>>, vector<16xf32>,
        %scan3A_326 = arith.constant 0 : i32
        scf.yield %scan3A_326 : i32
      }
      %scan3A_121 = arith.constant 512 : i32
      %dma_start3A_122 = arith.constant 0 : i32
      %dma_start3A_123 = arith.constant 0 : i32
      %dma_start3A_124 = tpu.memref_slice %arg6[%dma_start3A_122, %dma_start3A_123] : memref<262144x128xf32, #tpu.memory_space<hbm>> -> memref<262144x128xf32, #tpu.memory_space<hbm>>
      tpu.enqueue_indirect_dma source(%arg24 : memref<64x128xf32, #tpu.memory_space<vmem>>) target(%dma_start3A_124 : memref<262144x128xf32, #tpu.memory_space<hbm>>) offsets(%arg22 : memref<64xi32, #tpu.memory_space<vmem>>) semaphore(%arg26 : memref<!tpu.dma_semaphore, #tpu.memory_space<semaphore_mem>>)
      %dma_wait3A_125 = arith.constant 0 : i32
      %dma_wait3A_126 = arith.constant 0 : i32
      %dma_wait3A_127 = tpu.memref_slice %arg6[%dma_wait3A_125, %dma_wait3A_126] : memref<262144x128xf32, #tpu.memory_space<hbm>> -> memref<262144x128xf32, #tpu.memory_space<hbm>>
      tpu.wait_indirect_dma semaphore(%arg26 : memref<!tpu.dma_semaphore, #tpu.memory_space<semaphore_mem>>) src(%arg24 : memref<64x128xf32, #tpu.memory_space<vmem>>) dst(%dma_wait3A_127 : memref<262144x128xf32, #tpu.memory_space<hbm>>)
      %while3A_128 = arith.constant 0 : i32
      scf.yield %while3A_128 : i32
    }
    return
  }
}

</mosaic_0001>

<sc_bundles>
// kernel: kernel.3.cloned.1.call-start
scs
__scs_entry_jumppad:
0x0: {  	(pc) =	sbr.rel $0x88, $3  }
0x1: {  	(tag) =	ssettag $0x0;
	lr =	simm.s32 $0x1  }
0x2: {  	[smem:$0x3F9C] =	sst lr;
	_ =	strace $0xD0000000  }
0x3: {  	_ = 	snop  }
0x4: {  	_ = 	snop  }
0x5: {  	_ = 	snop  }
0x6: {  	_ = 	snop  }
0x7: {  	_ = 	snop  }
__scs_overlays_trampoline_lowered:
0x8: {  	[smem:$0x3FAB] =	sst s0  }
0x9: {  	[smem:$0x3FAC] =	sst s1  }
0xa: {  	[smem:$0x3FAD] =	sst s2  }
0xb: {  	[smem:$0x3FAE] =	sst s3  }
0xc: {  	[smem:$0x3FAF] =	sst s4  }
0xd: {  	[smem:$0x3FB0] =	sst s5  }
0xe: {  	[smem:$0x3FB1] =	sst s6  }
0xf: {  	[smem:$0x3FB2] =	sst s7  }
0x10: {  	[smem:$0x3FB3] =	sst s8  }
0x11: {  	[smem:$0x3FB4] =	sst s9;
	s0 =	simm.s32 @!p0 $0x0  }
0x12: {  	s1 =	sld [smem:$0x3F9A];
	s0 =	simm.s32 @p0 $0x1  }
0x13: {  	[smem:$0x3FB5] =	sst s0;
	s0 =	simm.s32 @!p1 $0x0  }
0x14: {  	s2 =	sld [smem:$0x3F99];
	s0 =	simm.s32 @p1 $0x1  }
0x15: {  	[smem:$0x3FB6] =	sst s0;
	s0 =	simm.s32 @!p2 $0x0  }
0x16: {  	s3 =	sld [smem:$0x3FDB];
	s0 =	simm.s32 @p2 $0x1  }
0x17: {  	s4 =	simm.s32 $0x1BF5;
	[smem:$0x3FB8] =	sst s0  }
0x18: {  	s0 =	sld [smem:$0x3F9B];
	_ =	swait.ge [sflag:s4], $0x0  }
0x19: {  	s7 =	sld [smem:$0x3F9C]  }
0x1a: {  	s8 =	sadd.s32 $0xFFFFE003, lr  }
0x1b: {  	s9 =	sadd.s32 $0xFFFFFEF7, lr;
	s5 =	simm.s32 $0xFFFFFFFF;
	p2 =	slt.u32 s8, $0xFFFFF086  }
0x1c: {  	p1 =	slt.u32 s9, $0xF7A;
	s5 =	simm.s32 @!p2 $0x0  }
0x1d: {  	s5 =	simm.s32 @p1 $0x1;
	p0 =	seq.s32 s7, s2  }
0x1e: {  	s7 =	smul.u32 @!p0 $0xF7A, s2;
	p2 =	seq.s32 @!p0 s5, $0x0  }
0x1f: {  	s9 =	smul.u32 $0xF7A, s1;
	s8 =	simm.s32 @!p0 $0x1BF5;
	p2 =	por !p2, p0  }
0x20: {  	[sflag:s8] =	ssyncset.s32 @!p0 $0xFFFFF086;
	s6 =	sadd.s32 @!p0 s3, s7;
	s7 =	simm.s32 @!p0 $0x108  }
0x21: {  	s3 =	sadd.s32 s3, s9;
	s6 =	sadd.s32 @!p0 $0x88, s6;
	s7 =	simm.s32 @p2 $0x1082  }
0x22: {  	[simem:s7], [sflag:s8] =	dma.local @!p0 [hbm:s6], $0xF7A  }
0x23: {  	s9 =	sor.u32 $0xD0000000, s2;
	s6 =	simm.s32 $0x108;
	_ =	swait.ge @!p0 [sflag:s8], $0x0  }
0x24: {  	s3 =	sadd.s32 $0x88, s3;
	s6 =	simm.s32 @!p1 $0x1082;
	[sflag:s4] =	ssyncset.s32 $0xFFFFF086  }
0x25: {  	[simem:s6], [sflag:s4] =	dma.local [hbm:s3], $0xF7A  }
0x26: {  	[smem:$0x3F9C] =	sst s1;
	(tag) =	ssettag s2;
	_ =	strace s9  }
0x27: {  	s1 =	sld [smem:$0x3FAC]  }
0x28: {  	s2 =	sld [smem:$0x3FAD]  }
0x29: {  	s4 =	sld [smem:$0x3FAF]  }
0x2a: {  	p0 =	seq.s32 s5, $0x0;
	s5 =	sld [smem:$0x3FB0]  }
0x2b: {  	s6 =	sld [smem:$0x3FB1]  }
0x2c: {  	s7 =	sld [smem:$0x3FB2]  }
0x2d: {  	s3 =	simm.s32 $0x108;
	s8 =	sld [smem:$0x3FB3]  }
0x2e: {  	s3 =	simm.s32 @!p0 $0x1082;
	s9 =	sld [smem:$0x3FB4]  }
0x2f: {  	lr =	sadd.s32 s0, s3;
	s0 =	sld [smem:$0x3FAB]  }
0x30: {  	s3 =	sld [smem:$0x3FAE]  }
0x31: {  	[smem:$0x3FB7] =	sst s10  }
0x32: {  	s10 =	sld [smem:$0x3FB5];
	_ =	sdelay $0x3  }
0x33: {  	p0 =	seq.s32 s10, $0x1;
	s10 =	sld [smem:$0x3FB7];
	_ =	sdelay $0x3  }
0x34: {  	[smem:$0x3FB7] =	sst s10  }
0x35: {  	s10 =	sld [smem:$0x3FB6];
	_ =	sdelay $0x3  }
0x36: {  	p1 =	seq.s32 s10, $0x1;
	s10 =	sld [smem:$0x3FB7];
	_ =	sdelay $0x3  }
0x37: {  	[smem:$0x3FB7] =	sst s10  }
0x38: {  	s10 =	sld [smem:$0x3FB8]  }
0x39: {  	_ = 	snop;
	(pc) =	sbr.ind lr, $3  }
0x3a: {  	_ = 	snop  }
0x3b: {  	_ = 	snop  }
0x3c: {  	p2 =	seq.s32 s10, $0x1;
	s10 =	sld [smem:$0x3FB7]  }
0x3d: {  	_ =	shalt  }
0x3e: {  	_ =	shalt  }
0x3f: {  	_ =	shalt  }
0x40: {  	_ =	shalt  }
0x41: {  	_ =	shalt  }
0x42: {  	_ =	shalt  }
0x43: {  	_ =	shalt  }
0x44: {  	_ =	shalt  }
0x45: {  	_ =	shalt  }
0x46: {  	_ =	shalt  }
0x47: {  	_ =	shalt  }
0x48: {  	_ =	shalt  }
0x49: {  	_ =	shalt  }
0x4a: {  	_ =	shalt  }
0x4b: {  	_ =	shalt  }
0x4c: {  	_ =	shalt  }
0x4d: {  	_ =	shalt  }
0x4e: {  	_ =	shalt  }
0x4f: {  	_ =	shalt  }
0x50: {  	_ =	shalt  }
0x51: {  	_ =	shalt  }
0x52: {  	_ =	shalt  }
0x53: {  	_ =	shalt  }
0x54: {  	_ =	shalt  }
0x55: {  	_ =	shalt  }
0x56: {  	_ =	shalt  }
0x57: {  	_ =	shalt  }
0x58: {  	_ =	shalt  }
0x59: {  	_ =	shalt  }
0x5a: {  	_ =	shalt  }
0x5b: {  	_ =	shalt  }
0x5c: {  	_ =	shalt  }
0x5d: {  	_ =	shalt  }
0x5e: {  	_ =	shalt  }
0x5f: {  	_ =	shalt  }
0x60: {  	_ =	shalt  }
0x61: {  	_ =	shalt  }
0x62: {  	_ =	shalt  }
0x63: {  	_ =	shalt  }
0x64: {  	_ =	shalt  }
0x65: {  	_ =	shalt  }
0x66: {  	_ =	shalt  }
0x67: {  	_ =	shalt  }
0x68: {  	_ =	shalt  }
0x69: {  	_ =	shalt  }
0x6a: {  	_ =	shalt  }
0x6b: {  	_ =	shalt  }
0x6c: {  	_ =	shalt  }
0x6d: {  	_ =	shalt  }
0x6e: {  	_ =	shalt  }
0x6f: {  	_ =	shalt  }
0x70: {  	_ =	shalt  }
0x71: {  	_ =	shalt  }
0x72: {  	_ =	shalt  }
0x73: {  	_ =	shalt  }
0x74: {  	_ =	shalt  }
0x75: {  	_ =	shalt  }
0x76: {  	_ =	shalt  }
0x77: {  	_ =	shalt  }
0x78: {  	_ =	shalt  }
0x79: {  	_ =	shalt  }
0x7a: {  	_ =	shalt  }
0x7b: {  	_ =	shalt  }
0x7c: {  	_ =	shalt  }
0x7d: {  	_ =	shalt  }
0x7e: {  	_ =	shalt  }
0x7f: {  	_ =	shalt  }
0x80: {  	_ =	shalt  }
0x81: {  	_ =	shalt  }
0x82: {  	_ =	shalt  }
0x83: {  	_ =	shalt  }
0x84: {  	_ =	shalt  }
0x85: {  	_ =	shalt  }
0x86: {  	_ =	shalt  }
0x87: {  	_ =	shalt  }
.Lfunc_end0:
.L_simem_size_0:
called_computation_lowered:
.L_overlay_start_0:
0x88: {  	s2 =	sld [smem:$0x3FD9]  }
0x89: {  	s3 =	sld [smem:$0x3FFE];
	_ =	sdelay $0x1  }
0x8a: {  	s1 =	srdreg.scid  }
0x8b: {  	s0 =	sand.u32 $0x1, s1  }
0x8c: {  	s14 =	sshll.u32 s0, $0xA;
	s2 =	sadd.s32 s3, s2  }
0x8d: {  	s2 =	sadd.s32 s2, s14  }
0x8e: {  	[smem:$0x3FC3] =	sst s2  }
0x8f: {  	_ = 	snop  }
0x90: {  	s2 =	sld [smem:$0x3FD0];
	_ =	sdelay $0x1  }
0x91: {  	s15 =	sld [smem:$0x3FC8]  }
0x92: {  	s5 =	simm.s32 $0xA;
	s6 =	simm.s32 $0x10;
	s4 =	sld [smem:$0x3FC7]  }
0x93: {  	[smem:s6], [sflag:s5] =	dma.local [hbm:s2], $0x1  }
0x94: {  	_ =	swait.eq [sflag:s5], $0x1  }
0x95: {  	[sflag:s5] =	ssyncset.done $0x0  }
0x96: {  	s16 =	sld [smem:$0x10];
	[sflag:s5] =	ssyncadd.s32 $0xFFFFFFFF  }
0x97: {  	s17 =	sld [smem:$0x11];
	(tm) =	ssettm $0x1  }
0x98: {  	s18 =	sld [smem:$0x3FFB];
	_ =	sdelay $0x3  }
0x99: {  	_ =	strace s18  }
0x9a: {  	s6 =	sld [smem:$0x3FFC];
	_ =	sdelay $0x3  }
0x9b: {  	_ =	strace s6  }
0x9c: {  	s6 =	sld [smem:$0x3FFD];
	_ =	sdelay $0x3  }
0x9d: {  	_ =	strace s6  }
0x9e: {  	_ =	strace $0x8FFFFFFF  }
0x9f: {  	s19 =	sld [smem:$0x3FDB];
	_ =	sdelay $0x1  }
0xa0: {  	s7 =	simm.s32 $_scs_section_size  }
0xa1: {  	s8 =	simm.s32 $_size__tile_overlayer_lowered;
	s9 =	simm.s32 $_tile_overlayer_lowered  }
0xa2: {  	s22 =	simm.s32 $0x1BFF;
	s21 =	sshll.u32 s9, $0x1;
	s6 =	sadd.s32 s7, s19  }
0xa3: {  	s10 =	simm.s32 $0x0;
	s20 =	sshll.u32 s8, $0x1;
	s8 =	sadd.s32 s21, s6  }
0xa4: {  	[timem:s10], [sflag:s22] =	dma.local [hbm:s8], s20  }
0xa5: {  	_ =	swait.ge [sflag:s22], s20  }
0xa6: {  	s7 =	ssub.s32 $0x0, s20;
	[sflag:s22] =	ssyncset.done $0x0  }
0xa7: {  	[sflag:s22] =	ssyncadd.s32 s7;
	_ =	sdelay $0x1  }
0xa8: {  	s23 =	simm.s32 $0x1B8B  }
0xa9: {  	_ =	swait.ge [sflag:s23], $0x1  }
0xaa: {  	[sflag:s23] =	ssyncset.done $0x0  }
0xab: {  	s25 =	simm.s32 $0x1B8E;
	s24 =	sld [smem:$0x3FFE];
	[sflag:s23] =	ssyncadd.s32 $0xFFFFFFFF  }
0xac: {  	s26 =	simm.s32 $execute0_lowered;
	[smem:$0x3FD2] =	sst s25  }
0xad: {  	s8 =	sshll.u32 s26, $0x1;
	_ =	strace $0x80000046;
	[dreg:$0x1] =	wrdreg $0xFFFFFFFF  }
0xae: {  	s28 =	simm.s32 $_size_execute0_lowered;
	s6 =	sadd.s32 s6, s8;
	[dreg:$0x0] =	wrdreg $0x0  }
0xaf: {  	s8 =	sshll.u32 s28, $0x1;
	[dreg:$0x2] =	wrdreg s6  }
0xb0: {  	[dreg:$0x3] =	wrdreg s8  }
0xb1: {  	[dreg:$0x4] =	wrdreg $0xC0  }
0xb2: {  	_ =	task [dreg:s10], $0x5FFFF  }
0xb3: {  	[dreg:$0x1] =	wrdreg $0xFFFFFFFF  }
0xb4: {  	[dreg:$0x0] =	wrdreg $0x60  }
0xb5: {  	[dreg:$0x2] =	wrdreg s24  }
0xb6: {  	[dreg:$0x3] =	wrdreg s4  }
0xb7: {  	[dreg:$0x4] =	wrdreg s15  }
0xb8: {  	[dreg:$0x5] =	wrdreg s16  }
0xb9: {  	[dreg:$0x6] =	wrdreg s17  }
0xba: {  	[dreg:$0x7] =	wrdreg $0x9  }
0xbb: {  	_ =	task.clear_ibuf [dreg:s10], $0x8FFFF;
	_ =	strace $0x90000046  }
0xbc: {  	s29 =	simm.s32 $0x9;
	_ =	strace $0x80000048  }
0xbd: {  	_ =	swait.ge [sflag:s29], $0x1  }
0xbe: {  	[sflag:s29] =	ssyncadd.s32 $0xFFFFFFFF  }
0xbf: {  	_ =	strace $0x90000048  }
0xc0: {  	_ =	sfence  }
0xc1: {  	s30 =	sld [smem:$0x0];
	_ =	sdelay $0x2  }
0xc2: {  	s31 =	sshll.u32 s1, $0xD;
	s1 =	sshrl.u32 s1, $0x2  }
0xc3: {  	s3 =	sand.u32 $0x4000, s31;
	s1 =	sadd.s32 s1, s30  }
0xc4: {  	s0 =	sor.u32 s3, s0;
	s1 =	sshll.u32 s1, $0x11  }
0xc5: {  	s0 =	sor.u32 s1, s0  }
0xc6: {  	s0 =	sadd.s32 $0x8F2B, s0  }
0xc7: {  	[sflag:s0] =	ssyncadd.remote.s32 $0x1  }
0xc8: {  	_ =	sfence.sel $0xFFFF  }
0xc9: {  	[dreg:$0x0] =	wrdreg $0xFFFFFFFF;
	(pc) =	sbr.abs _section_cstart, $3  }
0xca: {  	[dreg:$0x1] =	wrdreg $0xFFFFFFFF  }
0xcb: {  	_ =	task.clear_ibuf [dreg:s10], $0x2FFFF;
	_ =	strace $0x9FFFFFFF  }
0xcc: {  	(tm) =	ssettm $0x7FFFFFFF  }
0xcd: {  	_ =	shalt  }
tec
execute0_lowered:
.L_overlay_start_1:
0x0: {  	(tag) =	ssettag $0x1  }
0x1: {  	s0 =	rddreg [dreg:$0x0]  }
0x2: {  	s1 =	rddreg [dreg:$0x1]  }
0x3: {  	s2 =	rddreg [dreg:$0x2]  }
0x4: {  	s3 =	rddreg [dreg:$0x3]  }
0x5: {  	s5 =	rddreg [dreg:$0x4];
	s4 =	simm.s32 $0x0;
	s6 =	srdreg.scid  }
0x6: {  	s12 =	stileid.u32;
	s14 =	simm.s32 $0x1;
	s15 =	simm.s32 $0x5000  }
0x7: {  	s16 =	simm.s32 $0x6000;
	s17 =	simm.s32 $0x7000;
	s20 =	simm.s32 $0x5  }
0x8: {  	s21 =	simm.s32 $0x40;
	s22 =	simm.s32 $0xE100;
	s23 =	simm.s32 $0xE200  }
0x9: {  	s24 =	simm.s32 $0xE180;
	s25 =	simm.s32 $0x10200;
	s28 =	simm.s32 $0x4  }
0xa: {  	s29 =	simm.s32 $0x0;
	[smem:$0x7FF] =	sst s4;
	s8 =	sand.u32 $0x1, s6  }
0xb: {  	s6 =	sadd.s32 $0x4A00, s0;
	s11 =	sshll.u32 s12, $0x1;
	s7 =	sadd.s32 $0xA00, s0  }
.Ltmp0:
0xc: {  	s30 =	sshll.u32 s12, $0xE;
	s9 =	ssub.s32 $0x2, s8;
	(pc) =	sbr.rel .LBB2_1-.Ltmp0, $4  }
0xd: {  	_ =	strace $0x80000047;
	s19 =	sor.u32 s8, s11;
	s10 =	sshrl.u32 s9, $0x1  }
0xe: {  	s31 =	sshll.u32 s8, $0xD;
	s26 =	sshll.u32 s19, $0xA;
	s18 =	ssub.s32 s9, s10  }
0xf: {  	v0 =	vlaneseq.u32;
	s8 =	sadd.s32 s5, s26;
	s10 =	sor.u32 s31, s30;
	s0 =	smax.u32 s18, $0x1  }
0x10: {  	v2 =	vimm.s32 $0x0;
	v3 =	vmul.u32 $0x2, v0;
	v1 =	vmov s19;
	s26 =	simm.s32 $0x3;
	s18 =	simm.s32 $0x2;
	[dreg:$0x6] =	wrdreg s0  }
.LBB2_16:
0x11: {  	s29 =	sadd.s32 $0x1, s29;
	s0 =	rddreg [dreg:$0x6]  }
0x12: {  	p0 =	sne.s32 s29, s0  }
.Ltmp1:
0x13: {  	_ = 	snop;
	(pc) =	sbr.rel @!p0 .LBB2_17-.Ltmp1, $1  }
0x14: {  	_ =	sdelay $0x3  }
.LBB2_1:
0x15: {  	s0 =	simm.s32 $0x20  }
0x16: {  	[tilespmem:s0+$0xFFFFFFE0] =	vst v2  }
0x17: {  	[tilespmem:s0+$0x10] =	vst v2  }
0x18: {  	s5 =	simm.s32 $0x0;
	[tilespmem:s0+$0x0] =	vst v2  }
.LBB2_2:
0x19: {  	s5 =	sadd.s32 $0x4, s5  }
0x1a: {  	[tilespmem:s0+$0xFFFFFFF0] =	vst v2;
	s0 =	sadd.s32 $0x40, s0;
	p0 =	slt.u32 s5, $0x1FC  }
.Ltmp2:
0x1b: {  	[tilespmem:s0+$0xFFFFFFE0] =	vst v2;
	(pc) =	sbr.rel @p0 .LBB2_2-.Ltmp2, $3  }
0x1c: {  	_ =	sdelay $0x1  }
0x1d: {  	[tilespmem:s0+$0x10] =	vst v2  }
0x1e: {  	[tilespmem:s0+$0x0] =	vst v2  }
0x1f: {  	[tilespmem:s0+$0xFFFFFFF0] =	vst v2;
	s30 =	simm.s32 $0x0;
	s13 =	simm.s32 $0x2000  }
0x20: {  	[tilespmem:s13], [sflag:$0x1] =	stream.linear.gather [hbm4b:s6+s30], $0x1000, $0x38;
	[tilespmem:$0x12200] =	vst v63  }
0x21: {  	s19 =	simm.s32 $0x3000  }
0x22: {  	[tilespmem:s19], [sflag:$0x1] =	stream.linear.gather [hbm4b:s7+s30], $0x1000, $0x38;
	[tilespmem:$0x12200] =	vst v63  }
0x23: {  	s31 =	simm.s32 $0x4000;
	s9 =	simm.s32 $0x62;
	s0 =	simm.s32 $0x2002  }
0x24: {  	[tilespmem:s31], [sflag:$0x1] =	stream.linear.gather [hbm4b:s1+s30], $0x1000, $0x38;
	[tilespmem:$0x12200] =	vst v63  }
.LBB2_4:
0x25: {  	_ =	swait.ge [sflag:s14], $0x1000  }
0x26: {  	[sflag:s14] =	ssyncset.done $0x0  }
0x27: {  	[sflag:s14] =	ssyncadd.s32 $0xFFFFF000  }
0x28: {  	_ =	swait.ge [sflag:s14], $0x1000  }
0x29: {  	[sflag:s14] =	ssyncset.done $0x0  }
0x2a: {  	s5 =	sshll.u32 s30, $0xA;
	[sflag:s14] =	ssyncadd.s32 $0xFFFFF000  }
0x2b: {  	s5 =	sand.u32 $0x1FFFFC00, s5;
	_ =	swait.ge [sflag:s14], $0x1000  }
0x2c: {  	s5 =	sor.u32 $0x200, s5;
	[sflag:s14] =	ssyncset.done $0x0  }
0x2d: {  	s11 =	sadd.s32 s6, s5;
	[sflag:s14] =	ssyncadd.s32 $0xFFFFF000  }
0x2e: {  	[tilespmem:s15], [sflag:$0x2] =	stream.linear.gather [hbm4b:s11+s4], $0x1000, $0x38;
	[tilespmem:$0x12200] =	vst v63  }
0x2f: {  	s19 =	sadd.s32 s7, s5  }
0x30: {  	[tilespmem:s16], [sflag:$0x2] =	stream.linear.gather [hbm4b:s19+s4], $0x1000, $0x38;
	[tilespmem:$0x12200] =	vst v63  }
0x31: {  	s12 =	simm.s32 $0x4020;
	s13 =	simm.s32 $0x2020;
	s5 =	sadd.s32 s1, s5  }
0x32: {  	[tilespmem:s17], [sflag:$0x2] =	stream.linear.gather [hbm4b:s5+s4], $0x1000, $0x38;
	[tilespmem:$0x12200] =	vst v63  }
0x33: {  	s31 =	smov.u32 s9;
	s11 =	simm.s32 $0x3020;
	s5 =	simm.s32 $0xFFFFFFFC  }
.LBB2_5:
0x34: {  	v4 =	vld [tilespmem:s13+$0xFFFFFFE0]  }
0x35: {  	v5 =	vld [tilespmem:s11+$0xFFFFFFE0];
	_ =	sdelay $0x3  }
0x36: {  	v6 =	vld [tilespmem:s12+$0xFFFFFFE0];
	v4 =	vshll.u32 v4, $0x9  }
0x37: {  	v4 =	vadd.s32 v5, v4  }
0x38: {  	v7 =	vshrl.u32 v4, $0xD  }
0x39: {  	v5 =	vand.u32 $0x7F, v5;
	v4 =	vand.u32 $0x1F80, v4;
	vm0 =	veq.s32 v7, v1  }
0x3a: {  	v4 =	vor.u32 v5, v4  }
0x3b: {  	vm1 =	vlt.f32 v6, $1.000000010e-01  }
0x3c: {  	s19 =	sadd.s32 $0xFFFFFFA0, s31;
	v5 =	vsel vm1, $0x1, v2  }
0x3d: {  	v5 =	vadd.s32 s19, v5  }
0x3e: {  	v5 =	vadd.s32 v3, v5  }
0x3f: {  	[tilespmem:v4+s4+$0x0] =	vst.idx.msk vm0, v5  }
0x40: {  	v4 =	vld [tilespmem:s13+$0xFFFFFFF0]  }
0x41: {  	v5 =	vld [tilespmem:s11+$0xFFFFFFF0];
	_ =	sdelay $0x3  }
0x42: {  	v58 =	vld [tilespmem:s12+$0xFFFFFFF0];
	v4 =	vshll.u32 v4, $0x9  }
0x43: {  	v4 =	vadd.s32 v5, v4  }
0x44: {  	v59 =	vshrl.u32 v4, $0xD  }
0x45: {  	v5 =	vand.u32 $0x7F, v5;
	v4 =	vand.u32 $0x1F80, v4;
	vm10 =	veq.s32 v59, v1  }
0x46: {  	v4 =	vor.u32 v5, v4  }
0x47: {  	vm11 =	vlt.f32 v58, $1.000000010e-01  }
0x48: {  	s19 =	sadd.s32 $0xFFFFFFC0, s31;
	v5 =	vsel vm11, $0x1, v2  }
0x49: {  	v5 =	vadd.s32 s19, v5  }
0x4a: {  	v5 =	vadd.s32 v3, v5  }
0x4b: {  	[tilespmem:v4+s4+$0x0] =	vst.idx.msk vm10, v5  }
0x4c: {  	v4 =	vld [tilespmem:s13+$0x0]  }
0x4d: {  	v5 =	vld [tilespmem:s11+$0x0];
	_ =	sdelay $0x3  }
0x4e: {  	v60 =	vld [tilespmem:s12+$0x0];
	v4 =	vshll.u32 v4, $0x9  }
0x4f: {  	v4 =	vadd.s32 v5, v4  }
0x50: {  	v61 =	vshrl.u32 v4, $0xD  }
0x51: {  	v5 =	vand.u32 $0x7F, v5;
	v4 =	vand.u32 $0x1F80, v4;
	vm12 =	veq.s32 v61, v1  }
0x52: {  	v4 =	vor.u32 v5, v4  }
0x53: {  	vm13 =	vlt.f32 v60, $1.000000010e-01  }
0x54: {  	s19 =	sadd.s32 $0xFFFFFFE0, s31;
	v5 =	vsel vm13, $0x1, v2  }
0x55: {  	v5 =	vadd.s32 s19, v5  }
0x56: {  	v5 =	vadd.s32 v3, v5  }
0x57: {  	[tilespmem:v4+s4+$0x0] =	vst.idx.msk vm12, v5  }
0x58: {  	v4 =	vld [tilespmem:s13+$0x10]  }
0x59: {  	v5 =	vld [tilespmem:s11+$0x10];
	_ =	sdelay $0x3  }
0x5a: {  	v62 =	vld [tilespmem:s12+$0x10];
	v4 =	vshll.u32 v4, $0x9  }
0x5b: {  	v4 =	vadd.s32 v5, v4  }
0x5c: {  	v63 =	vshrl.u32 v4, $0xD  }
0x5d: {  	s5 =	sadd.s32 $0x4, s5;
	v5 =	vand.u32 $0x7F, v5;
	v4 =	vand.u32 $0x1F80, v4;
	vm14 =	veq.s32 v63, v1  }
0x5e: {  	p0 =	slt.u32 s5, $0xFC;
	v4 =	vor.u32 v5, v4  }
.Ltmp3:
0x5f: {  	vm15 =	vlt.f32 v62, $1.000000010e-01;
	(pc) =	sbr.rel @p0 .LBB2_5-.Ltmp3, $4  }
0x60: {  	v5 =	vsel vm15, $0x1, v2  }
0x61: {  	v5 =	vadd.s32 s31, v5  }
0x62: {  	s11 =	sadd.s32 $0x40, s11;
	v5 =	vadd.s32 v3, v5  }
0x63: {  	s12 =	sadd.s32 $0x40, s12;
	s13 =	sadd.s32 $0x40, s13;
	s31 =	sadd.s32 $0x80, s31;
	[tilespmem:v4+s4+$0x0] =	vst.idx.msk vm14, v5  }
0x64: {  	_ =	swait.ge [sflag:s18], $0x1000  }
0x65: {  	[sflag:s18] =	ssyncset.done $0x0  }
0x66: {  	[sflag:s18] =	ssyncadd.s32 $0xFFFFF000  }
0x67: {  	_ =	swait.ge [sflag:s18], $0x1000  }
0x68: {  	[sflag:s18] =	ssyncset.done $0x0  }
0x69: {  	p0 =	seq.s32 s30, $0xF;
	[sflag:s18] =	ssyncadd.s32 $0xFFFFF000  }
0x6a: {  	s5 =	sshll.u32 @!p0 s30, $0xA;
	_ =	swait.ge [sflag:s18], $0x1000  }
0x6b: {  	s12 =	simm.s32 @!p0 $0x0;
	s5 =	sadd.s32 @!p0 $0x400, s5;
	[sflag:s18] =	ssyncset.done $0x0  }
0x6c: {  	s13 =	simm.s32 @!p0 $0x2000;
	s11 =	sadd.s32 @!p0 s6, s5;
	[sflag:s18] =	ssyncadd.s32 $0xFFFFF000  }
0x6d: {  	[tilespmem:s13], [sflag:$0x1] =	stream.linear.gather @!p0 [hbm4b:s11+s12], $0x1000, $0x38;
	[tilespmem:$0x12200] =	vst v63  }
0x6e: {  	s31 =	smov.u32 s0;
	s11 =	sadd.s32 @!p0 s7, s5;
	s13 =	simm.s32 @!p0 $0x3000  }
0x6f: {  	[tilespmem:s13], [sflag:$0x1] =	stream.linear.gather @!p0 [hbm4b:s11+s12], $0x1000, $0x38;
	[tilespmem:$0x12200] =	vst v63  }
0x70: {  	s5 =	sadd.s32 @!p0 s1, s5;
	s11 =	simm.s32 @!p0 $0x4000;
	s13 =	simm.s32 $0x5020  }
0x71: {  	[tilespmem:s11], [sflag:$0x1] =	stream.linear.gather @!p0 [hbm4b:s5+s12], $0x1000, $0x38;
	[tilespmem:$0x12200] =	vst v63  }
0x72: {  	s5 =	simm.s32 $0xFFFFFFFC;
	s11 =	simm.s32 $0x6020;
	s12 =	simm.s32 $0x7020  }
.LBB2_7:
0x73: {  	v4 =	vld [tilespmem:s13+$0xFFFFFFE0]  }
0x74: {  	v5 =	vld [tilespmem:s11+$0xFFFFFFE0];
	_ =	sdelay $0x3  }
0x75: {  	v6 =	vld [tilespmem:s12+$0xFFFFFFE0];
	v4 =	vshll.u32 v4, $0x9  }
0x76: {  	v4 =	vadd.s32 v5, v4  }
0x77: {  	v7 =	vshrl.u32 v4, $0xD  }
0x78: {  	v5 =	vand.u32 $0x7F, v5;
	v4 =	vand.u32 $0x1F80, v4;
	vm0 =	veq.s32 v7, v1  }
0x79: {  	v4 =	vor.u32 v5, v4  }
0x7a: {  	vm1 =	vlt.f32 v6, $1.000000010e-01  }
0x7b: {  	v5 =	vsel vm1, $0x1, v2  }
0x7c: {  	v5 =	vadd.s32 s31, v5  }
0x7d: {  	v5 =	vadd.s32 v3, v5  }
0x7e: {  	[tilespmem:v4+s4+$0x0] =	vst.idx.msk vm0, v5  }
0x7f: {  	v4 =	vld [tilespmem:s13+$0xFFFFFFF0]  }
0x80: {  	v5 =	vld [tilespmem:s11+$0xFFFFFFF0];
	_ =	sdelay $0x3  }
0x81: {  	v58 =	vld [tilespmem:s12+$0xFFFFFFF0];
	v4 =	vshll.u32 v4, $0x9  }
0x82: {  	v4 =	vadd.s32 v5, v4  }
0x83: {  	v59 =	vshrl.u32 v4, $0xD  }
0x84: {  	v5 =	vand.u32 $0x7F, v5;
	v4 =	vand.u32 $0x1F80, v4;
	vm10 =	veq.s32 v59, v1  }
0x85: {  	v4 =	vor.u32 v5, v4  }
0x86: {  	vm11 =	vlt.f32 v58, $1.000000010e-01  }
0x87: {  	s19 =	sadd.s32 $0x20, s31;
	v5 =	vsel vm11, $0x1, v2  }
0x88: {  	v5 =	vadd.s32 s19, v5  }
0x89: {  	v5 =	vadd.s32 v3, v5  }
0x8a: {  	[tilespmem:v4+s4+$0x0] =	vst.idx.msk vm10, v5  }
0x8b: {  	v4 =	vld [tilespmem:s13+$0x0]  }
0x8c: {  	v5 =	vld [tilespmem:s11+$0x0];
	_ =	sdelay $0x3  }
0x8d: {  	v60 =	vld [tilespmem:s12+$0x0];
	v4 =	vshll.u32 v4, $0x9  }
0x8e: {  	v4 =	vadd.s32 v5, v4  }
0x8f: {  	v61 =	vshrl.u32 v4, $0xD  }
0x90: {  	v5 =	vand.u32 $0x7F, v5;
	v4 =	vand.u32 $0x1F80, v4;
	vm12 =	veq.s32 v61, v1  }
0x91: {  	v4 =	vor.u32 v5, v4  }
0x92: {  	vm13 =	vlt.f32 v60, $1.000000010e-01  }
0x93: {  	s19 =	sadd.s32 $0x40, s31;
	v5 =	vsel vm13, $0x1, v2  }
0x94: {  	v5 =	vadd.s32 s19, v5  }
0x95: {  	v5 =	vadd.s32 v3, v5  }
0x96: {  	[tilespmem:v4+s4+$0x0] =	vst.idx.msk vm12, v5  }
0x97: {  	v4 =	vld [tilespmem:s13+$0x10]  }
0x98: {  	v5 =	vld [tilespmem:s11+$0x10];
	_ =	sdelay $0x3  }
0x99: {  	v62 =	vld [tilespmem:s12+$0x10];
	v4 =	vshll.u32 v4, $0x9  }
0x9a: {  	v4 =	vadd.s32 v5, v4  }
0x9b: {  	v63 =	vshrl.u32 v4, $0xD  }
0x9c: {  	s5 =	sadd.s32 $0x4, s5;
	v5 =	vand.u32 $0x7F, v5;
	v4 =	vand.u32 $0x1F80, v4;
	vm14 =	veq.s32 v63, v1  }
0x9d: {  	p0 =	slt.u32 s5, $0xFC;
	v4 =	vor.u32 v5, v4  }
.Ltmp4:
0x9e: {  	vm15 =	vlt.f32 v62, $1.000000010e-01;
	(pc) =	sbr.rel @p0 .LBB2_7-.Ltmp4, $4  }
0x9f: {  	s19 =	sadd.s32 $0x60, s31;
	v5 =	vsel vm15, $0x1, v2  }
0xa0: {  	v5 =	vadd.s32 s19, v5  }
0xa1: {  	s31 =	sadd.s32 $0x80, s31;
	v5 =	vadd.s32 v3, v5  }
0xa2: {  	s11 =	sadd.s32 $0x40, s11;
	s12 =	sadd.s32 $0x40, s12;
	s13 =	sadd.s32 $0x40, s13;
	[tilespmem:v4+s4+$0x0] =	vst.idx.msk vm14, v5  }
0xa3: {  	s30 =	sadd.s32 $0x1, s30  }
0xa4: {  	p0 =	sne.s32 s30, $0x10  }
.Ltmp5:
0xa5: {  	_ = 	snop;
	(pc) =	sbr.rel @p0 .LBB2_4-.Ltmp5, $2  }
0xa6: {  	_ =	sdelay $0x2  }
0xa7: {  	s9 =	sadd.s32 $0x4000, s9;
	s0 =	sadd.s32 $0x4000, s0  }
0xa8: {  	s0 =	simm.s32 $0x0;
	s13 =	simm.s32 $0xC100  }
0xa9: {  	[tilespmem:s13], [sflag:$0x5] =	stream.linear.gather [hbm4b:s8+s0], $0x2000, $0x38;
	[tilespmem:$0x12200] =	vst v63  }
0xaa: {  	_ =	swait.ge [sflag:s20], $0x2000  }
0xab: {  	[sflag:s20] =	ssyncset.done $0x0  }
0xac: {  	s11 =	simm.s32 $0x0;
	[sflag:s20] =	ssyncadd.s32 $0xFFFFE000  }
0xad: {  	v4 =	vld [tilespmem:s11+$0x0];
	_ =	sdelay $0x4  }
0xae: {  	v5 =	vand.u32 $0x1, v4  }
0xaf: {  	(xrf0) =	vadd.scan.msk.s32 $0xffff, v5;
	_ =	sdelay $0x5  }
0xb0: {  	v6 =	vor.u32 s10, v0;
	vm0 =	veq.s32 v5, $0x1;
	v5, _, _ =	vpop (xrf0)  }
0xb1: {  	v4 =	vshrl.u32 v4, $0x1;
	vm0 =	vmmov vm0;
	(v2sf) =	vpush v5, $0xF  }
0xb2: {  	v4 =	vadd.s32 $0xFFFFFFFF, v4;
	[tilespmem:s0+$0x8000] =	vst.msk vm0, v6  }
0xb3: {  	s5 =	simm.s32 $0x10;
	[tilespmem:s0+$0xA080] =	vst.msk vm0, v4  }
0xb4: {  	v5 =	vld [tilespmem:s5+$0x0]  }
0xb5: {  	v4 =	vld [tilespmem:s11+$0xC100];
	_ =	sdelay $0x3  }
0xb6: {  	v6 =	vand.u32 $0x1, v5  }
0xb7: {  	v7 =	vadd.f32 $1.000000010e-01, v4;
	(xrf0) =	vadd.scan.msk.s32 $0xffff, v6;
	_ =	sdelay $0x1  }
0xb8: {  	v7 =	vmin.f32 v7, $1.000000000e+00  }
0xb9: {  	vm1 =	veq.s32 v6, $0x1;
	v6 =	vsel vm0, v7, v4;
	_ =	sdelay $0x1  }
0xba: {  	s12 =	sadd.s32 $0x10, s10  }
0xbb: {  	s9 =	simm.s32 $0x80;
	v5 =	vshrl.u32 v5, $0x1;
	v4 =	vor.u32 s12, v0;
	vm0 =	vmmov vm1;
	[tilespmem:s11+$0xC100] =	vst v6;
	s11 =	sadd.s32 $0x10, s12;
	v6, _, _ =	vpop (xrf0);
	s12 =	spop (v2sf)  }
.LBB2_10:
0xbc: {  	p0 =	sne.s32 s9, $0x7FC0  }
0xbd: {  	v7 =	vor.u32 s11, v0;
	(v2sf) =	vpush v6, $0xF;
	s0 =	sadd.s32 s0, s12;
	s12 =	smov.u32 s9;
	s9 =	sadd.s32 $0x40, s9  }
0xbe: {  	v5 =	vadd.s32 $0xFFFFFFFF, v5;
	[tilespmem:s0+$0x8000] =	vst.msk vm0, v4;
	v4 =	vmov v7  }
0xbf: {  	s12 =	sshra.s32 s12, $0x2;
	[tilespmem:s0+$0xA080] =	vst.msk vm0, v5  }
0xc0: {  	v5 =	vld [tilespmem:s12+$0x0]  }
0xc1: {  	v6 =	vld [tilespmem:s5+$0xC100];
	_ =	sdelay $0x3  }
0xc2: {  	v7 =	vand.u32 $0x1, v5;
	v5 =	vshrl.u32 v5, $0x1  }
0xc3: {  	vm1 =	veq.s32 v7, $0x1;
	(xrf0) =	vadd.scan.msk.s32 $0xffff, v7;
	v7 =	vadd.f32 $1.000000010e-01, v6;
	_ =	sdelay $0x1  }
.Ltmp6:
0xc4: {  	v7 =	vmin.f32 v7, $1.000000000e+00;
	(pc) =	sbr.rel @p0 .LBB2_10-.Ltmp6, $3  }
0xc5: {  	v6 =	vsel vm0, v7, v6;
	vm0 =	vmmov vm1  }
0xc6: {  	[tilespmem:s5+$0xC100] =	vst v6;
	s5 =	smov.u32 s12;
	_ =	sdelay $0x1  }
0xc7: {  	s11 =	sadd.s32 $0x10, s11;
	v6, _, _ =	vpop (xrf0);
	s12 =	spop (v2sf)  }
0xc8: {  	(v2sf) =	vpush v6, $0xF;
	_ =	sdelay $0x6  }
0xc9: {  	s0 =	sadd.s32 s0, s12  }
0xca: {  	v5 =	vadd.s32 $0xFFFFFFFF, v5;
	[tilespmem:s0+$0x8000] =	vst.msk vm0, v4  }
0xcb: {  	[tilespmem:s0+$0xA080] =	vst.msk vm0, v5  }
0xcc: {  	v4 =	vld [tilespmem:s5+$0xC100];
	_ =	sdelay $0x4  }
0xcd: {  	v5 =	vadd.f32 $1.000000010e-01, v4;
	s9 =	spop (v2sf)  }
0xce: {  	s9 =	sadd.s32 s0, s9  }
0xcf: {  	v5 =	vmin.f32 v5, $1.000000000e+00;
	p0 =	slt.s32 s9, $0x1  }
0xd0: {  	v4 =	vsel vm0, v5, v4;
	s0 =	sadd.s32 @!p0 $0xFFFFFFFF, s9  }
0xd1: {  	[tilespmem:s5+$0xC100] =	vst v4;
	v4 =	vmov @!p0 s0  }
0xd2: {  	[hbm4b:s8+s4] =	stream.linear.scatter [tilespmem:s13], [sflag:$0x5], $0x2000, $0x38;
	[tilespmem:$0x12200] =	vst v63  }
0xd3: {  	_ =	swait.ge [sflag:s20], $0x2000  }
0xd4: {  	[sflag:s20] =	ssyncset.done $0x0  }
0xd5: {  	[sflag:s20] =	ssyncadd.s32 $0xFFFFE000;
	s0 =	simm.s32 @!p0 $0x8000  }
0xd6: {  	v5 =	vld.idx.msk @!p0 [tilespmem:v4+s0+$0x0], $0xffff;
	_ =	sdelay $0x2  }
0xd7: {  	s0 =	simm.s32 @!p0 $0xA080  }
0xd8: {  	v4 =	vld.idx.msk @!p0 [tilespmem:v4+s0+$0x0], $0xffff  }
0xd9: {  	s0 =	sadd.s32 @!p0 $0x3F, s9;
	[tilespmem:s9+$0x8000] =	vst @!p0 v5  }
0xda: {  	p1 =	slt.s32 @!p0 s0, $0x40;
	[tilespmem:s9+$0x8010] =	vst @!p0 v5  }
0xdb: {  	p1 =	por p0, p1;
	[tilespmem:s9+$0x8020] =	vst @!p0 v5  }
.Ltmp7:
0xdc: {  	[tilespmem:s9+$0x8030] =	vst @!p0 v5;
	(pc) =	sbr.rel @p1 .LBB2_16-.Ltmp7, $4  }
0xdd: {  	[tilespmem:s9+$0xA080] =	vst @!p0 v4  }
0xde: {  	[tilespmem:s9+$0xA090] =	vst @!p0 v4  }
0xdf: {  	[tilespmem:s9+$0xA0A0] =	vst @!p0 v4  }
0xe0: {  	[tilespmem:s9+$0xA0B0] =	vst @!p0 v4  }
0xe1: {  	s5 =	sshra.s32 @!p0 s0, $0x1F  }
0xe2: {  	s5 =	sshrl.u32 @!p0 s5, $0x1A  }
0xe3: {  	s0 =	sadd.s32 @!p0 s5, s0  }
0xe4: {  	s31 =	simm.s32 @!p0 $0x0;
	s30 =	sshra.s32 @!p0 s0, $0x6  }
.LBB2_13:
0xe5: {  	s0 =	sshll.u32 s31, $0x6  }
0xe6: {  	v4 =	vld [tilespmem:s0+$0x8000];
	_ =	sdelay $0x4  }
0xe7: {  	[tilespmem:$0xE100] =	vst v4  }
0xe8: {  	v4 =	vld [tilespmem:s0+$0xA080];
	_ =	sdelay $0x4  }
0xe9: {  	[tilespmem:$0xE180] =	vst v4  }
0xea: {  	v4 =	vld [tilespmem:s0+$0x8010];
	_ =	sdelay $0x4  }
0xeb: {  	[tilespmem:$0xE110] =	vst v4  }
0xec: {  	v4 =	vld [tilespmem:s0+$0xA090];
	_ =	sdelay $0x4  }
0xed: {  	[tilespmem:$0xE190] =	vst v4  }
0xee: {  	v4 =	vld [tilespmem:s0+$0x8020];
	_ =	sdelay $0x4  }
0xef: {  	[tilespmem:$0xE120] =	vst v4  }
0xf0: {  	v4 =	vld [tilespmem:s0+$0xA0A0];
	_ =	sdelay $0x4  }
0xf1: {  	[tilespmem:$0xE1A0] =	vst v4  }
0xf2: {  	v4 =	vld [tilespmem:s0+$0x8030];
	_ =	sdelay $0x4  }
0xf3: {  	[tilespmem:$0xE130] =	vst v4  }
0xf4: {  	v4 =	vld [tilespmem:s0+$0xA0B0];
	_ =	sdelay $0x4  }
0xf5: {  	[tilespmem:$0xE1B0] =	vst v4  }
0xf6: {  	[tilespmem:s23], [sflag:$0x3] =	stream.indirect.gather [hbm4b:s3+s21], $0x80, s22, s21, $0xb8;
	[tilespmem:$0x12200] =	vst v63  }
0xf7: {  	_ = 	snop  }
0xf8: {  	[tilespmem:s25], [sflag:$0x4] =	stream.indirect.gather [hbm4b:s2+s21], $0x80, s24, s21, $0xb8;
	[tilespmem:$0x12200] =	vst v63  }
0xf9: {  	_ =	swait.ge [sflag:s26], $0x2000  }
0xfa: {  	[sflag:s26] =	ssyncset.done $0x0  }
0xfb: {  	[sflag:s26] =	ssyncadd.s32 $0xFFFFE000  }
0xfc: {  	_ =	swait.ge [sflag:s28], $0x2000  }
0xfd: {  	[sflag:s28] =	ssyncset.done $0x0  }
0xfe: {  	s0 =	simm.s32 $0xE240;
	[sflag:s28] =	ssyncadd.s32 $0xFFFFE000  }
0xff: {  	s5 =	simm.s32 $0x10240;
	v4 =	vld [tilespmem:s0+$0xFFFFFFC0]  }
0x100: {  	v5 =	vld [tilespmem:s5+$0xFFFFFFC0];
	_ =	sdelay $0x4  }
0x101: {  	v4 =	vmul.f32 $9.499999880e-01, v4;
	v5 =	vmul.f32 $5.000000070e-02, v5;
	_ =	sdelay $0x1  }
0x102: {  	v4 =	vadd.f32 v5, v4;
	_ =	sdelay $0x1  }
0x103: {  	[tilespmem:s0+$0xFFFFFFC0] =	vst v4;
	v4 =	vld [tilespmem:s0+$0xFFFFFFD0]  }
0x104: {  	v5 =	vld [tilespmem:s5+$0xFFFFFFD0];
	_ =	sdelay $0x4  }
0x105: {  	v4 =	vmul.f32 $9.499999880e-01, v4;
	v5 =	vmul.f32 $5.000000070e-02, v5;
	_ =	sdelay $0x1  }
0x106: {  	v4 =	vadd.f32 v5, v4;
	_ =	sdelay $0x1  }
0x107: {  	[tilespmem:s0+$0xFFFFFFD0] =	vst v4;
	v4 =	vld [tilespmem:s0+$0xFFFFFFE0]  }
0x108: {  	v5 =	vld [tilespmem:s5+$0xFFFFFFE0];
	_ =	sdelay $0x4  }
0x109: {  	v4 =	vmul.f32 $9.499999880e-01, v4;
	v5 =	vmul.f32 $5.000000070e-02, v5;
	_ =	sdelay $0x1  }
0x10a: {  	v4 =	vadd.f32 v5, v4;
	_ =	sdelay $0x1  }
0x10b: {  	[tilespmem:s0+$0xFFFFFFE0] =	vst v4;
	v4 =	vld [tilespmem:s0+$0xFFFFFFF0]  }
0x10c: {  	v5 =	vld [tilespmem:s5+$0xFFFFFFF0];
	_ =	sdelay $0x4  }
0x10d: {  	v4 =	vmul.f32 $9.499999880e-01, v4;
	v5 =	vmul.f32 $5.000000070e-02, v5;
	_ =	sdelay $0x1  }
0x10e: {  	v4 =	vadd.f32 v5, v4;
	_ =	sdelay $0x1  }
0x10f: {  	[tilespmem:s0+$0xFFFFFFF0] =	vst v4;
	v4 =	vld [tilespmem:s0+$0x0]  }
0x110: {  	v5 =	vld [tilespmem:s5+$0x0];
	_ =	sdelay $0x4  }
0x111: {  	v4 =	vmul.f32 $9.499999880e-01, v4;
	v5 =	vmul.f32 $5.000000070e-02, v5;
	_ =	sdelay $0x1  }
0x112: {  	v4 =	vadd.f32 v5, v4;
	_ =	sdelay $0x1  }
0x113: {  	[tilespmem:s0+$0x0] =	vst v4;
	v4 =	vld [tilespmem:s0+$0x10]  }
0x114: {  	v5 =	vld [tilespmem:s5+$0x10];
	_ =	sdelay $0x4  }
0x115: {  	v4 =	vmul.f32 $9.499999880e-01, v4;
	v5 =	vmul.f32 $5.000000070e-02, v5;
	_ =	sdelay $0x1  }
0x116: {  	v4 =	vadd.f32 v5, v4;
	_ =	sdelay $0x1  }
0x117: {  	[tilespmem:s0+$0x10] =	vst v4;
	v4 =	vld [tilespmem:s0+$0x20]  }
0x118: {  	v5 =	vld [tilespmem:s5+$0x20];
	_ =	sdelay $0x4  }
0x119: {  	v4 =	vmul.f32 $9.499999880e-01, v4;
	v5 =	vmul.f32 $5.000000070e-02, v5;
	_ =	sdelay $0x1  }
0x11a: {  	v4 =	vadd.f32 v5, v4;
	_ =	sdelay $0x1  }
0x11b: {  	[tilespmem:s0+$0x20] =	vst v4;
	v4 =	vld [tilespmem:s0+$0x30]  }
0x11c: {  	v5 =	vld [tilespmem:s5+$0x30];
	_ =	sdelay $0x4  }
0x11d: {  	v4 =	vmul.f32 $9.499999880e-01, v4;
	v5 =	vmul.f32 $5.000000070e-02, v5;
	_ =	sdelay $0x1  }
0x11e: {  	v4 =	vadd.f32 v5, v4  }
0x11f: {  	s11 =	simm.s32 $0x0;
	s12 =	simm.s32 $0xE2C0  }
.LBB2_14:
0x120: {  	v5 =	vld [tilespmem:s12+$0xFFFFFFC0];
	[tilespmem:s0+$0x30] =	vst v4;
	s5 =	sadd.s32 $0x80, s5;
	s0 =	smov.u32 s12  }
0x121: {  	s11 =	sadd.s32 $0x8, s11;
	v4 =	vld [tilespmem:s5+$0xFFFFFFC0]  }
0x122: {  	p0 =	slt.u32 s11, $0x1F8;
	_ =	sdelay $0x3  }
0x123: {  	v5 =	vmul.f32 $9.499999880e-01, v5;
	v4 =	vmul.f32 $5.000000070e-02, v4;
	_ =	sdelay $0x1  }
0x124: {  	v4 =	vadd.f32 v4, v5;
	_ =	sdelay $0x1  }
0x125: {  	[tilespmem:s12+$0xFFFFFFC0] =	vst v4;
	v4 =	vld [tilespmem:s12+$0xFFFFFFD0]  }
0x126: {  	v5 =	vld [tilespmem:s5+$0xFFFFFFD0];
	_ =	sdelay $0x4  }
0x127: {  	v4 =	vmul.f32 $9.499999880e-01, v4;
	v5 =	vmul.f32 $5.000000070e-02, v5;
	_ =	sdelay $0x1  }
0x128: {  	v4 =	vadd.f32 v5, v4;
	_ =	sdelay $0x1  }
0x129: {  	[tilespmem:s12+$0xFFFFFFD0] =	vst v4;
	v4 =	vld [tilespmem:s12+$0xFFFFFFE0]  }
0x12a: {  	v5 =	vld [tilespmem:s5+$0xFFFFFFE0];
	_ =	sdelay $0x4  }
0x12b: {  	v4 =	vmul.f32 $9.499999880e-01, v4;
	v5 =	vmul.f32 $5.000000070e-02, v5;
	_ =	sdelay $0x1  }
0x12c: {  	v4 =	vadd.f32 v5, v4;
	_ =	sdelay $0x1  }
0x12d: {  	[tilespmem:s12+$0xFFFFFFE0] =	vst v4;
	v4 =	vld [tilespmem:s12+$0xFFFFFFF0]  }
0x12e: {  	v5 =	vld [tilespmem:s5+$0xFFFFFFF0];
	_ =	sdelay $0x4  }
0x12f: {  	v4 =	vmul.f32 $9.499999880e-01, v4;
	v5 =	vmul.f32 $5.000000070e-02, v5;
	_ =	sdelay $0x1  }
0x130: {  	v4 =	vadd.f32 v5, v4;
	_ =	sdelay $0x1  }
0x131: {  	[tilespmem:s12+$0xFFFFFFF0] =	vst v4;
	v4 =	vld [tilespmem:s12+$0x0]  }
0x132: {  	v5 =	vld [tilespmem:s5+$0x0];
	_ =	sdelay $0x4  }
0x133: {  	v4 =	vmul.f32 $9.499999880e-01, v4;
	v5 =	vmul.f32 $5.000000070e-02, v5;
	_ =	sdelay $0x1  }
0x134: {  	v4 =	vadd.f32 v5, v4;
	_ =	sdelay $0x1  }
0x135: {  	[tilespmem:s12+$0x0] =	vst v4;
	v4 =	vld [tilespmem:s12+$0x10]  }
0x136: {  	v5 =	vld [tilespmem:s5+$0x10];
	_ =	sdelay $0x4  }
0x137: {  	v4 =	vmul.f32 $9.499999880e-01, v4;
	v5 =	vmul.f32 $5.000000070e-02, v5;
	_ =	sdelay $0x1  }
0x138: {  	v4 =	vadd.f32 v5, v4;
	_ =	sdelay $0x1  }
0x139: {  	[tilespmem:s12+$0x10] =	vst v4;
	v4 =	vld [tilespmem:s12+$0x20]  }
0x13a: {  	v5 =	vld [tilespmem:s5+$0x20];
	_ =	sdelay $0x4  }
0x13b: {  	v4 =	vmul.f32 $9.499999880e-01, v4;
	v5 =	vmul.f32 $5.000000070e-02, v5;
	_ =	sdelay $0x1  }
0x13c: {  	v4 =	vadd.f32 v5, v4;
	_ =	sdelay $0x1  }
0x13d: {  	[tilespmem:s12+$0x20] =	vst v4;
	v4 =	vld [tilespmem:s12+$0x30]  }
0x13e: {  	v5 =	vld [tilespmem:s5+$0x30];
	_ =	sdelay $0x3  }
.Ltmp8:
0x13f: {  	(pc) =	sbr.rel @p0 .LBB2_14-.Ltmp8, $3  }
0x140: {  	v4 =	vmul.f32 $9.499999880e-01, v4;
	v5 =	vmul.f32 $5.000000070e-02, v5;
	_ =	sdelay $0x1  }
0x141: {  	v4 =	vadd.f32 v5, v4  }
0x142: {  	s12 =	sadd.s32 $0x80, s12  }
0x143: {  	[tilespmem:s0+$0x30] =	vst v4;
	s31 =	sadd.s32 $0x1, s31  }
0x144: {  	[hbm4b:s3+s21] =	stream.indirect.scatter [tilespmem:s23], [sflag:$0x3], $0x80, s22, s21, $0xb8;
	[tilespmem:$0x12200] =	vst v63  }
0x145: {  	p0 =	sne.s32 s31, s30  }
.Ltmp9:
0x146: {  	_ = 	snop;
	(pc) =	sbr.rel @p0 .LBB2_13-.Ltmp9, $4  }
.Ltmp10:
0x147: {  	_ = 	snop;
	(pc) =	sbr.rel @!p0 .LBB2_16-.Ltmp10, $4  }
0x148: {  	_ =	swait.ge [sflag:s26], $0x2000  }
0x149: {  	[sflag:s26] =	ssyncset.done $0x0  }
0x14a: {  	[sflag:s26] =	ssyncadd.s32 $0xFFFFE000  }
0x14b: {  	_ = 	snop  }
.LBB2_17:
0x14c: {  	_ =	sfence.sel $0x180000  }
0x14d: {  	[bflag:$0x0] =	sbarrier.arrive $0xFFFF  }
0x14e: {  	_ =	strace $0x90000047  }
0x14f: {  	s0 =	stileid.u32;
	[bflag:$0x2] =	sbarrier.arrive $0xFFFF  }
0x150: {  	p0 =	sne.s32 s0, $0x0;
	s0 =	rddreg [dreg:$0x5]  }
0x151: {  	s0 =	sadd.s32 @!p0 $0x100000, s0  }
0x152: {  	[sflag:s0] =	ssyncadd.tile.s32 @!p0 $0x1;
	_ =	shalt  }
.Lfunc_end2:
_tile_overlayer_lowered:
.L_overlay_start_2:
0x153: {  	(tag) =	ssettag $0x2  }
0x154: {  	s0 =	rddreg [dreg:$0x0];
	s2 =	stileid.u32  }
0x155: {  	s1 =	rddreg [dreg:$0x1];
	p0 =	sne.s32 s2, $0x0  }
0x156: {  	s3 =	rddreg [dreg:$0x2];
	[bflag:$0x3] =	sbarrier.arrive $0xFFFF;
	s2 =	simm.s32 @!p0 $0x1C05  }
0x157: {  	[timem:s3], [sflag:s2] =	dma.local @!p0 [hbm:s0], s1  }
0x158: {  	s0 =	simm.s32 @!p0 $0x5  }
0x159: {  	_ =	swait.ge @!p0 [sflag:s0], s1  }
0x15a: {  	s1 =	ssub.s32 @!p0 $0x0, s1;
	[sflag:s0] =	ssyncset.done @!p0 $0x0  }
0x15b: {  	[sflag:s0] =	ssyncadd.s32 @!p0 s1  }
0x15c: {  	[bflag:$0x3] =	sbarrier.arrive $0xFFFF  }
0x15d: {  	_ =	shalt  }

</sc_bundles>
